<compile_context>
chip_gen: v7x
topology: tpu7x:2x2x1
jax: 0.10.2.dev20260603
libtpu: 0.0.44.dev20260713+nightly
codegen_flags: <defaults>
</compile_context>

<pallas_src>
import functools
import math

import jax
import jax.numpy as jnp
from jax import lax
from jax.experimental import pallas as pl
from jax.experimental.pallas import tpu as pltpu
from jax.experimental.pallas import tpu_sc as plsc

_NC, _NS = 2, 16
_NW = _NC * _NS
_BB = 128
_NBUF = 2


@functools.lru_cache(maxsize=None)
def _build(batch, hist, V, D, scale):
    assert batch == _NW * _BB and D % 8 == 0 and hist % _NBUF == 0
    dgroups = D // 8
    mesh = plsc.VectorSubcoreMesh(core_axis_name="c", subcore_axis_name="s")

    @functools.partial(
        pl.kernel,
        out_type=jax.ShapeDtypeStruct((hist, dgroups, _NW, 8, 128),
                                      jnp.float32),
        mesh=mesh,
        compiler_params=pltpu.CompilerParams(use_tc_tiling_on_sc=False,
                                             needs_layout_passes=False),
        scratch_types=[
            pltpu.VMEM((_BB, hist), jnp.int32),
            pltpu.VMEM((hist, _BB), jnp.int32),
            pltpu.VMEM((_BB, D), jnp.float32),
            pltpu.VMEM((_BB, D), jnp.float32),
            pltpu.VMEM((D, _BB), jnp.float32),
            pltpu.VMEM((D, _BB), jnp.float32),
            pltpu.SemaphoreType.DMA,
            pltpu.SemaphoreType.DMA,
            pltpu.SemaphoreType.DMA,
            pltpu.SemaphoreType.DMA,
        ],
    )
    def kern(idx_hbm, table_hbm, out_hbm, idx_v, idxT_v, in0, in1,
             ot0, ot1, g0, g1, s0, s1):
        ins, outs = (in0, in1), (ot0, ot1)
        gsem, ssem = (g0, g1), (s0, s1)
        wid = lax.axis_index("s") * _NC + lax.axis_index("c")
        lane = lax.iota(jnp.int32, 16)

        pltpu.sync_copy(idx_hbm.at[pl.ds(wid * _BB, _BB)], idx_v)

        @plsc.parallel_loop(0, hist)
        def _(t):
            tcol = jnp.full((16,), t, jnp.int32)
            vs = [plsc.load_gather(idx_v, [rq * 16 + lane, tcol])
                  for rq in range(_BB // 16)]
            for rq, v in enumerate(vs):
                idxT_v[t, pl.ds(rq * 16, 16)] = v

        def gather(t, b):
            return pltpu.make_async_copy(
                table_hbm.at[idxT_v.at[t]], ins[b], gsem[b])

        def scatters(t, b):
            return [
                pltpu.make_async_copy(
                    outs[b].at[pl.ds(dg * 8, 8)],
                    out_hbm.at[t, dg, wid], ssem[b])
                for dg in range(dgroups)
            ]

        for b in range(_NBUF):
            gather(b, b).start()

        @pl.loop(0, hist, step=_NBUF)
        def _(t0):
            for b in range(_NBUF):
                t = t0 + b
                gather(t, b).wait()

                @pl.when(t >= _NBUF)
                def _():
                    for c in scatters(t - _NBUF, b):
                        c.wait()

                @plsc.parallel_loop(0, D)
                def _(d):
                    dsplat = jnp.full((16,), d, jnp.int32)
                    for bq in range(_BB // 16):
                        v = plsc.load_gather(ins[b], [bq * 16 + lane, dsplat])
                        outs[b][d, pl.ds(bq * 16, 16)] = v * scale

                for c in scatters(t, b):
                    c.start()

                @pl.when(t + _NBUF < hist)
                def _():
                    gather(t + _NBUF, b).start()

        for b in range(_NBUF):
            for c in scatters(hist - _NBUF + b, b):
                c.wait()

    return kern


def kernel(input_ids, embeddings):
    batch, hist = input_ids.shape
    V, D = embeddings.shape
    scale = float(math.sqrt(D))
    idx = input_ids.astype(jnp.int32)
    out5 = _build(batch, hist, V, D, scale)(idx, embeddings)
    return out5.transpose(2, 4, 0, 1, 3).reshape(batch, hist, D)

# --- scband reference (transcript-rebuilt; emitter-appended) ---
"""Pipeline reference for scband-embeddings-58506044506853 (READ-ONLY COPY).

The authoritative reference and input builder live on the scoring server;
editing this copy changes nothing except your own understanding.
"""

import jax, jax.numpy as jnp
import numpy as np

D_MODEL = 64
VOCAB_SIZE = 1000000
BATCH = 4096
HIST_LEN = 200


def setup_inputs(seed: int = 0) -> dict:
    key = jax.random.key(seed)
    k1, k2 = jax.random.split(key)
    input_ids = jax.random.randint(k1, (BATCH, HIST_LEN), 0, VOCAB_SIZE, dtype=jnp.int64 if jax.config.jax_enable_x64 else jnp.int32)
    # xavier_normal_ init: std = sqrt(2 / (fan_in + fan_out)) with fan_in=vocab, fan_out=d_model
    std = np.sqrt(2.0 / (VOCAB_SIZE + D_MODEL))
    embeddings = jax.random.normal(k2, (VOCAB_SIZE, D_MODEL), dtype=jnp.float32) * std
    return {"input_ids": input_ids, "embeddings": embeddings}


def reference(input_ids, embeddings):
    d_model = embeddings.shape[1]
    # gather rows from the embedding table, then scale by sqrt(d_model)
    out = jnp.take(embeddings, input_ids, axis=0)
    out = out * jnp.sqrt(jnp.float32(d_model))
    return out

if __name__ == "__main__":
    import jax
    _d = setup_inputs()
    print(jax.jit(kernel)(*tuple(_d.values())))

</pallas_src>

<mosaic_0001>
#map = affine_map<(d0, d1) -> (0, 0)>
#map1 = affine_map<(d0, d1) -> (0, 0, 0, 0, 0)>
module attributes {stable_mosaic.version = 14 : i64} {
  func.func @kern(%arg0: i32, %arg1: i32, %arg2: memref<4096x200xi32, #tpu.memory_space<hbm>>, %arg3: memref<1000000x64xf32, #tpu.memory_space<hbm>>, %arg4: memref<200x8x32x8x128xf32, #tpu.memory_space<hbm>>, %arg5: memref<128x200xi32, #tpu.memory_space<vmem>>, %arg6: memref<200x128xi32, #tpu.memory_space<vmem>>, %arg7: memref<128x64xf32, #tpu.memory_space<vmem>>, %arg8: memref<128x64xf32, #tpu.memory_space<vmem>>, %arg9: memref<64x128xf32, #tpu.memory_space<vmem>>, %arg10: memref<64x128xf32, #tpu.memory_space<vmem>>, %arg11: memref<!tpu.dma_semaphore, #tpu.memory_space<semaphore_mem>>, %arg12: memref<!tpu.dma_semaphore, #tpu.memory_space<semaphore_mem>>, %arg13: memref<!tpu.dma_semaphore, #tpu.memory_space<semaphore_mem>>, %arg14: memref<!tpu.dma_semaphore, #tpu.memory_space<semaphore_mem>>) attributes {dimension_semantics = [#tpu.dimension_semantics<core_parallel>, #tpu.dimension_semantics<subcore_parallel>], iteration_bounds = array<i64: 2, 16>, scalar_prefetch = 0 : i64, scratch_operands = 10 : i64, tpu.core_type = #tpu.core_type<sc_vector_subcore>, window_params = [{transform_indices = #map}, {transform_indices = #map}, {transform_indices = #map1}]} {
    %mul3A = arith.constant 2 : i32
    %mul3A_0 = arith.muli %arg1, %mul3A : i32
    %add3A = arith.addi %mul3A_0, %arg0 : i32
    %iota3A = tpu.iota {dimensions = array<i32: 0>} : vector<16xi32>
    %mul3A_1 = arith.constant 128 : i32
    %mul3A_2 = arith.muli %add3A, %mul3A_1 : i32
    "tpu.region"() ({
      %run_scoped3A = tpu.sem_alloc : memref<!tpu.dma_semaphore, #tpu.memory_space<semaphore_mem>>
      %dma_start3A_277 = arith.constant 0 : i32
      %dma_start3A_278 = tpu.memref_slice %arg2[%mul3A_2, %dma_start3A_277] : memref<4096x200xi32, #tpu.memory_space<hbm>> -> memref<128x200xi32, #tpu.memory_space<hbm>>
      %dma_start3A_279 = arith.constant 0 : i32
      %dma_start3A_280 = tpu.memref_slice %arg2[%mul3A_2, %dma_start3A_279] : memref<4096x200xi32, #tpu.memory_space<hbm>> -> memref<128x200xi32, #tpu.memory_space<hbm>>
      tpu.enqueue_dma source(%dma_start3A_280 : memref<128x200xi32, #tpu.memory_space<hbm>>) target(%arg5 : memref<128x200xi32, #tpu.memory_space<vmem>>) target_semaphore(%run_scoped3A : memref<!tpu.dma_semaphore, #tpu.memory_space<semaphore_mem>>)
      %dma_wait3A_281 = arith.constant 0 : i32
      %dma_wait3A_282 = tpu.memref_slice %arg2[%mul3A_2, %dma_wait3A_281] : memref<4096x200xi32, #tpu.memory_space<hbm>> -> memref<128x200xi32, #tpu.memory_space<hbm>>
      %dma_wait3A_283 = arith.constant 0 : i32
      %dma_wait3A_284 = tpu.memref_slice %arg2[%mul3A_2, %dma_wait3A_283] : memref<4096x200xi32, #tpu.memory_space<hbm>> -> memref<128x200xi32, #tpu.memory_space<hbm>>
      tpu.wait_dma2 semaphore(%run_scoped3A : memref<!tpu.dma_semaphore, #tpu.memory_space<semaphore_mem>>) src(%dma_wait3A_284 : memref<128x200xi32, #tpu.memory_space<hbm>>) dst(%arg5 : memref<128x200xi32, #tpu.memory_space<vmem>>)
      tpu.yield
    }) : () -> ()
    %parallel_loop3A = arith.constant 0 : i32
    %parallel_loop3A_3 = arith.constant 200 : i32
    %parallel_loop3A_4 = arith.constant 1 : i32
    scf.for %parallel_loop3A_277 = %parallel_loop3A to %parallel_loop3A_3 step %parallel_loop3A_4  : i32 {
      %parallel_loop3A_278 = vector.broadcast %parallel_loop3A_277 : i32 to vector<16xi32>
      %parallel_loop3A_279 = arith.constant 0 : i32
      %parallel_loop3A_280 = vector.broadcast %parallel_loop3A_279 : i32 to vector<16xi32>
      %parallel_loop3A_281 = arith.addi %parallel_loop3A_280, %iota3A : vector<16xi32>
      %parallel_loop3A_282 = tpu.vector_load_idx %arg5[%parallel_loop3A_281, %parallel_loop3A_278] : memref<128x200xi32, #tpu.memory_space<vmem>>[vector<16xi32>, vector<16xi32>], vector<16xi32>,
      %parallel_loop3A_283 = arith.constant 16 : i32
      %parallel_loop3A_284 = vector.broadcast %parallel_loop3A_283 : i32 to vector<16xi32>
      %parallel_loop3A_285 = arith.addi %parallel_loop3A_284, %iota3A : vector<16xi32>
      %parallel_loop3A_286 = tpu.vector_load_idx %arg5[%parallel_loop3A_285, %parallel_loop3A_278] : memref<128x200xi32, #tpu.memory_space<vmem>>[vector<16xi32>, vector<16xi32>], vector<16xi32>,
      %parallel_loop3A_287 = arith.constant 32 : i32
      %parallel_loop3A_288 = vector.broadcast %parallel_loop3A_287 : i32 to vector<16xi32>
      %parallel_loop3A_289 = arith.addi %parallel_loop3A_288, %iota3A : vector<16xi32>
      %parallel_loop3A_290 = tpu.vector_load_idx %arg5[%parallel_loop3A_289, %parallel_loop3A_278] : memref<128x200xi32, #tpu.memory_space<vmem>>[vector<16xi32>, vector<16xi32>], vector<16xi32>,
      %parallel_loop3A_291 = arith.constant 48 : i32
      %parallel_loop3A_292 = vector.broadcast %parallel_loop3A_291 : i32 to vector<16xi32>
      %parallel_loop3A_293 = arith.addi %parallel_loop3A_292, %iota3A : vector<16xi32>
      %parallel_loop3A_294 = tpu.vector_load_idx %arg5[%parallel_loop3A_293, %parallel_loop3A_278] : memref<128x200xi32, #tpu.memory_space<vmem>>[vector<16xi32>, vector<16xi32>], vector<16xi32>,
      %parallel_loop3A_295 = arith.constant 64 : i32
      %parallel_loop3A_296 = vector.broadcast %parallel_loop3A_295 : i32 to vector<16xi32>
      %parallel_loop3A_297 = arith.addi %parallel_loop3A_296, %iota3A : vector<16xi32>
      %parallel_loop3A_298 = tpu.vector_load_idx %arg5[%parallel_loop3A_297, %parallel_loop3A_278] : memref<128x200xi32, #tpu.memory_space<vmem>>[vector<16xi32>, vector<16xi32>], vector<16xi32>,
      %parallel_loop3A_299 = arith.constant 80 : i32
      %parallel_loop3A_300 = vector.broadcast %parallel_loop3A_299 : i32 to vector<16xi32>
      %parallel_loop3A_301 = arith.addi %parallel_loop3A_300, %iota3A : vector<16xi32>
      %parallel_loop3A_302 = tpu.vector_load_idx %arg5[%parallel_loop3A_301, %parallel_loop3A_278] : memref<128x200xi32, #tpu.memory_space<vmem>>[vector<16xi32>, vector<16xi32>], vector<16xi32>,
      %parallel_loop3A_303 = arith.constant 96 : i32
      %parallel_loop3A_304 = vector.broadcast %parallel_loop3A_303 : i32 to vector<16xi32>
      %parallel_loop3A_305 = arith.addi %parallel_loop3A_304, %iota3A : vector<16xi32>
      %parallel_loop3A_306 = tpu.vector_load_idx %arg5[%parallel_loop3A_305, %parallel_loop3A_278] : memref<128x200xi32, #tpu.memory_space<vmem>>[vector<16xi32>, vector<16xi32>], vector<16xi32>,
      %parallel_loop3A_307 = arith.constant 112 : i32
      %parallel_loop3A_308 = vector.broadcast %parallel_loop3A_307 : i32 to vector<16xi32>
      %parallel_loop3A_309 = arith.addi %parallel_loop3A_308, %iota3A : vector<16xi32>
      %parallel_loop3A_310 = tpu.vector_load_idx %arg5[%parallel_loop3A_309, %parallel_loop3A_278] : memref<128x200xi32, #tpu.memory_space<vmem>>[vector<16xi32>, vector<16xi32>], vector<16xi32>,
      %parallel_loop3A_311 = arith.index_cast %parallel_loop3A_277 : i32 to index
      %parallel_loop3A_312 = arith.constant 0 : index
      %parallel_loop3A_313 = tpu.vector_load %arg6[%parallel_loop3A_311, %parallel_loop3A_312] {strides = array<i32>} : memref<200x128xi32, #tpu.memory_space<vmem>>, vector<16xi32>,
      tpu.vector_store %arg6[%parallel_loop3A_311, %parallel_loop3A_312], %parallel_loop3A_282 {strides = array<i32>} : memref<200x128xi32, #tpu.memory_space<vmem>>, vector<16xi32>,
      %parallel_loop3A_314 = arith.index_cast %parallel_loop3A_277 : i32 to index
      %parallel_loop3A_315 = arith.constant 16 : index
      %parallel_loop3A_316 = tpu.vector_load %arg6[%parallel_loop3A_314, %parallel_loop3A_315] {strides = array<i32>} : memref<200x128xi32, #tpu.memory_space<vmem>>, vector<16xi32>,
      tpu.vector_store %arg6[%parallel_loop3A_314, %parallel_loop3A_315], %parallel_loop3A_286 {strides = array<i32>} : memref<200x128xi32, #tpu.memory_space<vmem>>, vector<16xi32>,
      %parallel_loop3A_317 = arith.index_cast %parallel_loop3A_277 : i32 to index
      %parallel_loop3A_318 = arith.constant 32 : index
      %parallel_loop3A_319 = tpu.vector_load %arg6[%parallel_loop3A_317, %parallel_loop3A_318] {strides = array<i32>} : memref<200x128xi32, #tpu.memory_space<vmem>>, vector<16xi32>,
      tpu.vector_store %arg6[%parallel_loop3A_317, %parallel_loop3A_318], %parallel_loop3A_290 {strides = array<i32>} : memref<200x128xi32, #tpu.memory_space<vmem>>, vector<16xi32>,
      %parallel_loop3A_320 = arith.index_cast %parallel_loop3A_277 : i32 to index
      %parallel_loop3A_321 = arith.constant 48 : index
      %parallel_loop3A_322 = tpu.vector_load %arg6[%parallel_loop3A_320, %parallel_loop3A_321] {strides = array<i32>} : memref<200x128xi32, #tpu.memory_space<vmem>>, vector<16xi32>,
      tpu.vector_store %arg6[%parallel_loop3A_320, %parallel_loop3A_321], %parallel_loop3A_294 {strides = array<i32>} : memref<200x128xi32, #tpu.memory_space<vmem>>, vector<16xi32>,
      %parallel_loop3A_323 = arith.index_cast %parallel_loop3A_277 : i32 to index
      %parallel_loop3A_324 = arith.constant 64 : index
      %parallel_loop3A_325 = tpu.vector_load %arg6[%parallel_loop3A_323, %parallel_loop3A_324] {strides = array<i32>} : memref<200x128xi32, #tpu.memory_space<vmem>>, vector<16xi32>,
      tpu.vector_store %arg6[%parallel_loop3A_323, %parallel_loop3A_324], %parallel_loop3A_298 {strides = array<i32>} : memref<200x128xi32, #tpu.memory_space<vmem>>, vector<16xi32>,
      %parallel_loop3A_326 = arith.index_cast %parallel_loop3A_277 : i32 to index
      %parallel_loop3A_327 = arith.constant 80 : index
      %parallel_loop3A_328 = tpu.vector_load %arg6[%parallel_loop3A_326, %parallel_loop3A_327] {strides = array<i32>} : memref<200x128xi32, #tpu.memory_space<vmem>>, vector<16xi32>,
      tpu.vector_store %arg6[%parallel_loop3A_326, %parallel_loop3A_327], %parallel_loop3A_302 {strides = array<i32>} : memref<200x128xi32, #tpu.memory_space<vmem>>, vector<16xi32>,
      %parallel_loop3A_329 = arith.index_cast %parallel_loop3A_277 : i32 to index
      %parallel_loop3A_330 = arith.constant 96 : index
      %parallel_loop3A_331 = tpu.vector_load %arg6[%parallel_loop3A_329, %parallel_loop3A_330] {strides = array<i32>} : memref<200x128xi32, #tpu.memory_space<vmem>>, vector<16xi32>,
      tpu.vector_store %arg6[%parallel_loop3A_329, %parallel_loop3A_330], %parallel_loop3A_306 {strides = array<i32>} : memref<200x128xi32, #tpu.memory_space<vmem>>, vector<16xi32>,
      %parallel_loop3A_332 = arith.index_cast %parallel_loop3A_277 : i32 to index
      %parallel_loop3A_333 = arith.constant 112 : index
      %parallel_loop3A_334 = tpu.vector_load %arg6[%parallel_loop3A_332, %parallel_loop3A_333] {strides = array<i32>} : memref<200x128xi32, #tpu.memory_space<vmem>>, vector<16xi32>,
      tpu.vector_store %arg6[%parallel_loop3A_332, %parallel_loop3A_333], %parallel_loop3A_310 {strides = array<i32>} : memref<200x128xi32, #tpu.memory_space<vmem>>, vector<16xi32>,
    } {sc.loop_unroll_factor = 1 : i64, sc.parallel_access}
    %dma_start3A = arith.constant 0 : i32
    %dma_start3A_5 = arith.constant 0 : i32
    %dma_start3A_6 = tpu.memref_slice %arg6[%dma_start3A, %dma_start3A_5] : memref<200x128xi32, #tpu.memory_space<vmem>> -> memref<1x128xi32, #tpu.memory_space<vmem>>
    %dma_start3A_7 = tpu.memref_squeeze %dma_start3A_6 : memref<1x128xi32, #tpu.memory_space<vmem>> -> memref<128xi32, #tpu.memory_space<vmem>>
    %dma_start3A_8 = arith.constant 0 : i32
    %dma_start3A_9 = arith.constant 0 : i32
    %dma_start3A_10 = tpu.memref_slice %arg3[%dma_start3A_8, %dma_start3A_9] : memref<1000000x64xf32, #tpu.memory_space<hbm>> -> memref<1000000x64xf32, #tpu.memory_space<hbm>>
    tpu.enqueue_indirect_dma source(%dma_start3A_10 : memref<1000000x64xf32, #tpu.memory_space<hbm>>) target(%arg7 : memref<128x64xf32, #tpu.memory_space<vmem>>) offsets(%dma_start3A_7 : memref<128xi32, #tpu.memory_space<vmem>>) semaphore(%arg11 : memref<!tpu.dma_semaphore, #tpu.memory_space<semaphore_mem>>)
    %dma_start3A_11 = arith.constant 1 : i32
    %dma_start3A_12 = arith.constant 0 : i32
    %dma_start3A_13 = tpu.memref_slice %arg6[%dma_start3A_11, %dma_start3A_12] : memref<200x128xi32, #tpu.memory_space<vmem>> -> memref<1x128xi32, #tpu.memory_space<vmem>>
    %dma_start3A_14 = tpu.memref_squeeze %dma_start3A_13 : memref<1x128xi32, #tpu.memory_space<vmem>> -> memref<128xi32, #tpu.memory_space<vmem>>
    %dma_start3A_15 = arith.constant 0 : i32
    %dma_start3A_16 = arith.constant 0 : i32
    %dma_start3A_17 = tpu.memref_slice %arg3[%dma_start3A_15, %dma_start3A_16] : memref<1000000x64xf32, #tpu.memory_space<hbm>> -> memref<1000000x64xf32, #tpu.memory_space<hbm>>
    tpu.enqueue_indirect_dma source(%dma_start3A_17 : memref<1000000x64xf32, #tpu.memory_space<hbm>>) target(%arg8 : memref<128x64xf32, #tpu.memory_space<vmem>>) offsets(%dma_start3A_14 : memref<128xi32, #tpu.memory_space<vmem>>) semaphore(%arg12 : memref<!tpu.dma_semaphore, #tpu.memory_space<semaphore_mem>>)
    %scan3A = arith.constant 0 : i32
    %scan3A_18 = arith.constant 100 : i32
    %scan3A_19 = arith.addi %scan3A, %scan3A_18 : i32
    %scan3A_20 = arith.constant 1 : i32
    scf.for %scan3A_277 = %scan3A to %scan3A_19 step %scan3A_20  : i32 {
      %mul3A_278 = arith.constant 2 : i32
      %mul3A_279 = arith.muli %scan3A_277, %mul3A_278 : i32
      %add3A_280 = arith.constant 0 : i32
      %add3A_281 = arith.addi %add3A_280, %mul3A_279 : i32
      %add3A_282 = arith.constant 0 : i32
      %add3A_283 = arith.addi %add3A_281, %add3A_282 : i32
      %dma_wait3A_284 = arith.constant 0 : i32
      %dma_wait3A_285 = tpu.memref_slice %arg6[%add3A_283, %dma_wait3A_284] : memref<200x128xi32, #tpu.memory_space<vmem>> -> memref<1x128xi32, #tpu.memory_space<vmem>>
      %dma_wait3A_286 = tpu.memref_squeeze %dma_wait3A_285 : memref<1x128xi32, #tpu.memory_space<vmem>> -> memref<128xi32, #tpu.memory_space<vmem>>
      %dma_wait3A_287 = arith.constant 0 : i32
      %dma_wait3A_288 = arith.constant 0 : i32
      %dma_wait3A_289 = tpu.memref_slice %arg3[%dma_wait3A_287, %dma_wait3A_288] : memref<1000000x64xf32, #tpu.memory_space<hbm>> -> memref<1000000x64xf32, #tpu.memory_space<hbm>>
      tpu.wait_indirect_dma semaphore(%arg11 : memref<!tpu.dma_semaphore, #tpu.memory_space<semaphore_mem>>) src(%dma_wait3A_289 : memref<1000000x64xf32, #tpu.memory_space<hbm>>) dst(%arg7 : memref<128x64xf32, #tpu.memory_space<vmem>>)
      %ge3A = arith.constant 2 : i32
      %ge3A_290 = arith.cmpi sge, %add3A_283, %ge3A : i32
      %convert_element_type3A = arith.extui %ge3A_290 : i1 to i32
      %cond3A = arith.constant 0 : i32
      %cond3A_291 = arith.cmpi ne, %convert_element_type3A, %cond3A : i32
      scf.if %cond3A_291 {
        %sub3A = arith.constant 2 : i32
        %sub3A_564 = arith.subi %add3A_283, %sub3A : i32
        %dma_wait3A_565 = arith.constant 0 : i32
        %dma_wait3A_566 = arith.constant 0 : i32
        %dma_wait3A_567 = arith.constant 0 : i32
        %dma_wait3A_568 = tpu.memref_slice %arg9[%dma_wait3A_566, %dma_wait3A_567] : memref<64x128xf32, #tpu.memory_space<vmem>> -> memref<8x128xf32, #tpu.memory_space<vmem>>
        %dma_wait3A_569 = arith.constant 0 : i32
        %dma_wait3A_570 = arith.constant 0 : i32
        %dma_wait3A_571 = tpu.memref_slice %arg4[%sub3A_564, %dma_wait3A_565, %add3A, %dma_wait3A_569, %dma_wait3A_570] : memref<200x8x32x8x128xf32, #tpu.memory_space<hbm>> -> memref<1x1x1x8x128xf32, #tpu.memory_space<hbm>>
        %dma_wait3A_572 = tpu.memref_squeeze %dma_wait3A_571 : memref<1x1x1x8x128xf32, #tpu.memory_space<hbm>> -> memref<8x128xf32, #tpu.memory_space<hbm>>
        %dma_wait3A_573 = arith.constant 0 : i32
        %dma_wait3A_574 = arith.constant 0 : i32
        %dma_wait3A_575 = tpu.memref_slice %arg4[%sub3A_564, %dma_wait3A_565, %add3A, %dma_wait3A_573, %dma_wait3A_574] : memref<200x8x32x8x128xf32, #tpu.memory_space<hbm>> -> memref<1x1x1x8x128xf32, #tpu.memory_space<hbm>>
        %dma_wait3A_576 = tpu.memref_squeeze %dma_wait3A_575 : memref<1x1x1x8x128xf32, #tpu.memory_space<hbm>> -> memref<8x128xf32, #tpu.memory_space<hbm>>
        %dma_wait3A_577 = arith.constant 0 : i32
        %dma_wait3A_578 = arith.constant 0 : i32
        %dma_wait3A_579 = tpu.memref_slice %arg9[%dma_wait3A_577, %dma_wait3A_578] : memref<64x128xf32, #tpu.memory_space<vmem>> -> memref<8x128xf32, #tpu.memory_space<vmem>>
        tpu.wait_dma2 semaphore(%arg13 : memref<!tpu.dma_semaphore, #tpu.memory_space<semaphore_mem>>) src(%dma_wait3A_579 : memref<8x128xf32, #tpu.memory_space<vmem>>) dst(%dma_wait3A_576 : memref<8x128xf32, #tpu.memory_space<hbm>>)
        %dma_wait3A_580 = arith.constant 1 : i32
        %dma_wait3A_581 = arith.constant 8 : i32
        %dma_wait3A_582 = arith.constant 0 : i32
        %dma_wait3A_583 = tpu.memref_slice %arg9[%dma_wait3A_581, %dma_wait3A_582] : memref<64x128xf32, #tpu.memory_space<vmem>> -> memref<8x128xf32, #tpu.memory_space<vmem>>
        %dma_wait3A_584 = arith.constant 0 : i32
        %dma_wait3A_585 = arith.constant 0 : i32
        %dma_wait3A_586 = tpu.memref_slice %arg4[%sub3A_564, %dma_wait3A_580, %add3A, %dma_wait3A_584, %dma_wait3A_585] : memref<200x8x32x8x128xf32, #tpu.memory_space<hbm>> -> memref<1x1x1x8x128xf32, #tpu.memory_space<hbm>>
        %dma_wait3A_587 = tpu.memref_squeeze %dma_wait3A_586 : memref<1x1x1x8x128xf32, #tpu.memory_space<hbm>> -> memref<8x128xf32, #tpu.memory_space<hbm>>
        %dma_wait3A_588 = arith.constant 0 : i32
        %dma_wait3A_589 = arith.constant 0 : i32
        %dma_wait3A_590 = tpu.memref_slice %arg4[%sub3A_564, %dma_wait3A_580, %add3A, %dma_wait3A_588, %dma_wait3A_589] : memref<200x8x32x8x128xf32, #tpu.memory_space<hbm>> -> memref<1x1x1x8x128xf32, #tpu.memory_space<hbm>>
        %dma_wait3A_591 = tpu.memref_squeeze %dma_wait3A_590 : memref<1x1x1x8x128xf32, #tpu.memory_space<hbm>> -> memref<8x128xf32, #tpu.memory_space<hbm>>
        %dma_wait3A_592 = arith.constant 8 : i32
        %dma_wait3A_593 = arith.constant 0 : i32
        %dma_wait3A_594 = tpu.memref_slice %arg9[%dma_wait3A_592, %dma_wait3A_593] : memref<64x128xf32, #tpu.memory_space<vmem>> -> memref<8x128xf32, #tpu.memory_space<vmem>>
        tpu.wait_dma2 semaphore(%arg13 : memref<!tpu.dma_semaphore, #tpu.memory_space<semaphore_mem>>) src(%dma_wait3A_594 : memref<8x128xf32, #tpu.memory_space<vmem>>) dst(%dma_wait3A_591 : memref<8x128xf32, #tpu.memory_space<hbm>>)
        %dma_wait3A_595 = arith.constant 2 : i32
        %dma_wait3A_596 = arith.constant 16 : i32
        %dma_wait3A_597 = arith.constant 0 : i32
        %dma_wait3A_598 = tpu.memref_slice %arg9[%dma_wait3A_596, %dma_wait3A_597] : memref<64x128xf32, #tpu.memory_space<vmem>> -> memref<8x128xf32, #tpu.memory_space<vmem>>
        %dma_wait3A_599 = arith.constant 0 : i32
        %dma_wait3A_600 = arith.constant 0 : i32
        %dma_wait3A_601 = tpu.memref_slice %arg4[%sub3A_564, %dma_wait3A_595, %add3A, %dma_wait3A_599, %dma_wait3A_600] : memref<200x8x32x8x128xf32, #tpu.memory_space<hbm>> -> memref<1x1x1x8x128xf32, #tpu.memory_space<hbm>>
        %dma_wait3A_602 = tpu.memref_squeeze %dma_wait3A_601 : memref<1x1x1x8x128xf32, #tpu.memory_space<hbm>> -> memref<8x128xf32, #tpu.memory_space<hbm>>
        %dma_wait3A_603 = arith.constant 0 : i32
        %dma_wait3A_604 = arith.constant 0 : i32
        %dma_wait3A_605 = tpu.memref_slice %arg4[%sub3A_564, %dma_wait3A_595, %add3A, %dma_wait3A_603, %dma_wait3A_604] : memref<200x8x32x8x128xf32, #tpu.memory_space<hbm>> -> memref<1x1x1x8x128xf32, #tpu.memory_space<hbm>>
        %dma_wait3A_606 = tpu.memref_squeeze %dma_wait3A_605 : memref<1x1x1x8x128xf32, #tpu.memory_space<hbm>> -> memref<8x128xf32, #tpu.memory_space<hbm>>
        %dma_wait3A_607 = arith.constant 16 : i32
        %dma_wait3A_608 = arith.constant 0 : i32
        %dma_wait3A_609 = tpu.memref_slice %arg9[%dma_wait3A_607, %dma_wait3A_608] : memref<64x128xf32, #tpu.memory_space<vmem>> -> memref<8x128xf32, #tpu.memory_space<vmem>>
        tpu.wait_dma2 semaphore(%arg13 : memref<!tpu.dma_semaphore, #tpu.memory_space<semaphore_mem>>) src(%dma_wait3A_609 : memref<8x128xf32, #tpu.memory_space<vmem>>) dst(%dma_wait3A_606 : memref<8x128xf32, #tpu.memory_space<hbm>>)
        %dma_wait3A_610 = arith.constant 3 : i32
        %dma_wait3A_611 = arith.constant 24 : i32
        %dma_wait3A_612 = arith.constant 0 : i32
        %dma_wait3A_613 = tpu.memref_slice %arg9[%dma_wait3A_611, %dma_wait3A_612] : memref<64x128xf32, #tpu.memory_space<vmem>> -> memref<8x128xf32, #tpu.memory_space<vmem>>
        %dma_wait3A_614 = arith.constant 0 : i32
        %dma_wait3A_615 = arith.constant 0 : i32
        %dma_wait3A_616 = tpu.memref_slice %arg4[%sub3A_564, %dma_wait3A_610, %add3A, %dma_wait3A_614, %dma_wait3A_615] : memref<200x8x32x8x128xf32, #tpu.memory_space<hbm>> -> memref<1x1x1x8x128xf32, #tpu.memory_space<hbm>>
        %dma_wait3A_617 = tpu.memref_squeeze %dma_wait3A_616 : memref<1x1x1x8x128xf32, #tpu.memory_space<hbm>> -> memref<8x128xf32, #tpu.memory_space<hbm>>
        %dma_wait3A_618 = arith.constant 0 : i32
        %dma_wait3A_619 = arith.constant 0 : i32
        %dma_wait3A_620 = tpu.memref_slice %arg4[%sub3A_564, %dma_wait3A_610, %add3A, %dma_wait3A_618, %dma_wait3A_619] : memref<200x8x32x8x128xf32, #tpu.memory_space<hbm>> -> memref<1x1x1x8x128xf32, #tpu.memory_space<hbm>>
        %dma_wait3A_621 = tpu.memref_squeeze %dma_wait3A_620 : memref<1x1x1x8x128xf32, #tpu.memory_space<hbm>> -> memref<8x128xf32, #tpu.memory_space<hbm>>
        %dma_wait3A_622 = arith.constant 24 : i32
        %dma_wait3A_623 = arith.constant 0 : i32
        %dma_wait3A_624 = tpu.memref_slice %arg9[%dma_wait3A_622, %dma_wait3A_623] : memref<64x128xf32, #tpu.memory_space<vmem>> -> memref<8x128xf32, #tpu.memory_space<vmem>>
        tpu.wait_dma2 semaphore(%arg13 : memref<!tpu.dma_semaphore, #tpu.memory_space<semaphore_mem>>) src(%dma_wait3A_624 : memref<8x128xf32, #tpu.memory_space<vmem>>) dst(%dma_wait3A_621 : memref<8x128xf32, #tpu.memory_space<hbm>>)
        %dma_wait3A_625 = arith.constant 4 : i32
        %dma_wait3A_626 = arith.constant 32 : i32
        %dma_wait3A_627 = arith.constant 0 : i32
        %dma_wait3A_628 = tpu.memref_slice %arg9[%dma_wait3A_626, %dma_wait3A_627] : memref<64x128xf32, #tpu.memory_space<vmem>> -> memref<8x128xf32, #tpu.memory_space<vmem>>
        %dma_wait3A_629 = arith.constant 0 : i32
        %dma_wait3A_630 = arith.constant 0 : i32
        %dma_wait3A_631 = tpu.memref_slice %arg4[%sub3A_564, %dma_wait3A_625, %add3A, %dma_wait3A_629, %dma_wait3A_630] : memref<200x8x32x8x128xf32, #tpu.memory_space<hbm>> -> memref<1x1x1x8x128xf32, #tpu.memory_space<hbm>>
        %dma_wait3A_632 = tpu.memref_squeeze %dma_wait3A_631 : memref<1x1x1x8x128xf32, #tpu.memory_space<hbm>> -> memref<8x128xf32, #tpu.memory_space<hbm>>
        %dma_wait3A_633 = arith.constant 0 : i32
        %dma_wait3A_634 = arith.constant 0 : i32
        %dma_wait3A_635 = tpu.memref_slice %arg4[%sub3A_564, %dma_wait3A_625, %add3A, %dma_wait3A_633, %dma_wait3A_634] : memref<200x8x32x8x128xf32, #tpu.memory_space<hbm>> -> memref<1x1x1x8x128xf32, #tpu.memory_space<hbm>>
        %dma_wait3A_636 = tpu.memref_squeeze %dma_wait3A_635 : memref<1x1x1x8x128xf32, #tpu.memory_space<hbm>> -> memref<8x128xf32, #tpu.memory_space<hbm>>
        %dma_wait3A_637 = arith.constant 32 : i32
        %dma_wait3A_638 = arith.constant 0 : i32
        %dma_wait3A_639 = tpu.memref_slice %arg9[%dma_wait3A_637, %dma_wait3A_638] : memref<64x128xf32, #tpu.memory_space<vmem>> -> memref<8x128xf32, #tpu.memory_space<vmem>>
        tpu.wait_dma2 semaphore(%arg13 : memref<!tpu.dma_semaphore, #tpu.memory_space<semaphore_mem>>) src(%dma_wait3A_639 : memref<8x128xf32, #tpu.memory_space<vmem>>) dst(%dma_wait3A_636 : memref<8x128xf32, #tpu.memory_space<hbm>>)
        %dma_wait3A_640 = arith.constant 5 : i32
        %dma_wait3A_641 = arith.constant 40 : i32
        %dma_wait3A_642 = arith.constant 0 : i32
        %dma_wait3A_643 = tpu.memref_slice %arg9[%dma_wait3A_641, %dma_wait3A_642] : memref<64x128xf32, #tpu.memory_space<vmem>> -> memref<8x128xf32, #tpu.memory_space<vmem>>
        %dma_wait3A_644 = arith.constant 0 : i32
        %dma_wait3A_645 = arith.constant 0 : i32
        %dma_wait3A_646 = tpu.memref_slice %arg4[%sub3A_564, %dma_wait3A_640, %add3A, %dma_wait3A_644, %dma_wait3A_645] : memref<200x8x32x8x128xf32, #tpu.memory_space<hbm>> -> memref<1x1x1x8x128xf32, #tpu.memory_space<hbm>>
        %dma_wait3A_647 = tpu.memref_squeeze %dma_wait3A_646 : memref<1x1x1x8x128xf32, #tpu.memory_space<hbm>> -> memref<8x128xf32, #tpu.memory_space<hbm>>
        %dma_wait3A_648 = arith.constant 0 : i32
        %dma_wait3A_649 = arith.constant 0 : i32
        %dma_wait3A_650 = tpu.memref_slice %arg4[%sub3A_564, %dma_wait3A_640, %add3A, %dma_wait3A_648, %dma_wait3A_649] : memref<200x8x32x8x128xf32, #tpu.memory_space<hbm>> -> memref<1x1x1x8x128xf32, #tpu.memory_space<hbm>>
        %dma_wait3A_651 = tpu.memref_squeeze %dma_wait3A_650 : memref<1x1x1x8x128xf32, #tpu.memory_space<hbm>> -> memref<8x128xf32, #tpu.memory_space<hbm>>
        %dma_wait3A_652 = arith.constant 40 : i32
        %dma_wait3A_653 = arith.constant 0 : i32
        %dma_wait3A_654 = tpu.memref_slice %arg9[%dma_wait3A_652, %dma_wait3A_653] : memref<64x128xf32, #tpu.memory_space<vmem>> -> memref<8x128xf32, #tpu.memory_space<vmem>>
        tpu.wait_dma2 semaphore(%arg13 : memref<!tpu.dma_semaphore, #tpu.memory_space<semaphore_mem>>) src(%dma_wait3A_654 : memref<8x128xf32, #tpu.memory_space<vmem>>) dst(%dma_wait3A_651 : memref<8x128xf32, #tpu.memory_space<hbm>>)
        %dma_wait3A_655 = arith.constant 6 : i32
        %dma_wait3A_656 = arith.constant 48 : i32
        %dma_wait3A_657 = arith.constant 0 : i32
        %dma_wait3A_658 = tpu.memref_slice %arg9[%dma_wait3A_656, %dma_wait3A_657] : memref<64x128xf32, #tpu.memory_space<vmem>> -> memref<8x128xf32, #tpu.memory_space<vmem>>
        %dma_wait3A_659 = arith.constant 0 : i32
        %dma_wait3A_660 = arith.constant 0 : i32
        %dma_wait3A_661 = tpu.memref_slice %arg4[%sub3A_564, %dma_wait3A_655, %add3A, %dma_wait3A_659, %dma_wait3A_660] : memref<200x8x32x8x128xf32, #tpu.memory_space<hbm>> -> memref<1x1x1x8x128xf32, #tpu.memory_space<hbm>>
        %dma_wait3A_662 = tpu.memref_squeeze %dma_wait3A_661 : memref<1x1x1x8x128xf32, #tpu.memory_space<hbm>> -> memref<8x128xf32, #tpu.memory_space<hbm>>
        %dma_wait3A_663 = arith.constant 0 : i32
        %dma_wait3A_664 = arith.constant 0 : i32
        %dma_wait3A_665 = tpu.memref_slice %arg4[%sub3A_564, %dma_wait3A_655, %add3A, %dma_wait3A_663, %dma_wait3A_664] : memref<200x8x32x8x128xf32, #tpu.memory_space<hbm>> -> memref<1x1x1x8x128xf32, #tpu.memory_space<hbm>>
        %dma_wait3A_666 = tpu.memref_squeeze %dma_wait3A_665 : memref<1x1x1x8x128xf32, #tpu.memory_space<hbm>> -> memref<8x128xf32, #tpu.memory_space<hbm>>
        %dma_wait3A_667 = arith.constant 48 : i32
        %dma_wait3A_668 = arith.constant 0 : i32
        %dma_wait3A_669 = tpu.memref_slice %arg9[%dma_wait3A_667, %dma_wait3A_668] : memref<64x128xf32, #tpu.memory_space<vmem>> -> memref<8x128xf32, #tpu.memory_space<vmem>>
        tpu.wait_dma2 semaphore(%arg13 : memref<!tpu.dma_semaphore, #tpu.memory_space<semaphore_mem>>) src(%dma_wait3A_669 : memref<8x128xf32, #tpu.memory_space<vmem>>) dst(%dma_wait3A_666 : memref<8x128xf32, #tpu.memory_space<hbm>>)
        %dma_wait3A_670 = arith.constant 7 : i32
        %dma_wait3A_671 = arith.constant 56 : i32
        %dma_wait3A_672 = arith.constant 0 : i32
        %dma_wait3A_673 = tpu.memref_slice %arg9[%dma_wait3A_671, %dma_wait3A_672] : memref<64x128xf32, #tpu.memory_space<vmem>> -> memref<8x128xf32, #tpu.memory_space<vmem>>
        %dma_wait3A_674 = arith.constant 0 : i32
        %dma_wait3A_675 = arith.constant 0 : i32
        %dma_wait3A_676 = tpu.memref_slice %arg4[%sub3A_564, %dma_wait3A_670, %add3A, %dma_wait3A_674, %dma_wait3A_675] : memref<200x8x32x8x128xf32, #tpu.memory_space<hbm>> -> memref<1x1x1x8x128xf32, #tpu.memory_space<hbm>>
        %dma_wait3A_677 = tpu.memref_squeeze %dma_wait3A_676 : memref<1x1x1x8x128xf32, #tpu.memory_space<hbm>> -> memref<8x128xf32, #tpu.memory_space<hbm>>
        %dma_wait3A_678 = arith.constant 0 : i32
        %dma_wait3A_679 = arith.constant 0 : i32
        %dma_wait3A_680 = tpu.memref_slice %arg4[%sub3A_564, %dma_wait3A_670, %add3A, %dma_wait3A_678, %dma_wait3A_679] : memref<200x8x32x8x128xf32, #tpu.memory_space<hbm>> -> memref<1x1x1x8x128xf32, #tpu.memory_space<hbm>>
        %dma_wait3A_681 = tpu.memref_squeeze %dma_wait3A_680 : memref<1x1x1x8x128xf32, #tpu.memory_space<hbm>> -> memref<8x128xf32, #tpu.memory_space<hbm>>
        %dma_wait3A_682 = arith.constant 56 : i32
        %dma_wait3A_683 = arith.constant 0 : i32
        %dma_wait3A_684 = tpu.memref_slice %arg9[%dma_wait3A_682, %dma_wait3A_683] : memref<64x128xf32, #tpu.memory_space<vmem>> -> memref<8x128xf32, #tpu.memory_space<vmem>>
        tpu.wait_dma2 semaphore(%arg13 : memref<!tpu.dma_semaphore, #tpu.memory_space<semaphore_mem>>) src(%dma_wait3A_684 : memref<8x128xf32, #tpu.memory_space<vmem>>) dst(%dma_wait3A_681 : memref<8x128xf32, #tpu.memory_space<hbm>>)
      } else {
      }
      %parallel_loop3A_292 = arith.constant 0 : i32
      %parallel_loop3A_293 = arith.constant 64 : i32
      %parallel_loop3A_294 = arith.constant 1 : i32
      scf.for %parallel_loop3A_564 = %parallel_loop3A_292 to %parallel_loop3A_293 step %parallel_loop3A_294  : i32 {
        %parallel_loop3A_565 = vector.broadcast %parallel_loop3A_564 : i32 to vector<16xi32>
        %parallel_loop3A_566 = arith.constant 0 : i32
        %parallel_loop3A_567 = vector.broadcast %parallel_loop3A_566 : i32 to vector<16xi32>
        %parallel_loop3A_568 = arith.addi %parallel_loop3A_567, %iota3A : vector<16xi32>
        %parallel_loop3A_569 = tpu.vector_load_idx %arg7[%parallel_loop3A_568, %parallel_loop3A_565] : memref<128x64xf32, #tpu.memory_space<vmem>>[vector<16xi32>, vector<16xi32>], vector<16xf32>,
        %parallel_loop3A_570 = arith.constant 8.000000e+00 : f32
        %parallel_loop3A_571 = vector.broadcast %parallel_loop3A_570 : f32 to vector<16xf32>
        %parallel_loop3A_572 = arith.mulf %parallel_loop3A_569, %parallel_loop3A_571 : vector<16xf32>
        %parallel_loop3A_573 = arith.index_cast %parallel_loop3A_564 : i32 to index
        %parallel_loop3A_574 = arith.constant 0 : index
        %parallel_loop3A_575 = tpu.vector_load %arg9[%parallel_loop3A_573, %parallel_loop3A_574] {strides = array<i32>} : memref<64x128xf32, #tpu.memory_space<vmem>>, vector<16xf32>,
        tpu.vector_store %arg9[%parallel_loop3A_573, %parallel_loop3A_574], %parallel_loop3A_572 {strides = array<i32>} : memref<64x128xf32, #tpu.memory_space<vmem>>, vector<16xf32>,
        %parallel_loop3A_576 = arith.constant 16 : i32
        %parallel_loop3A_577 = vector.broadcast %parallel_loop3A_576 : i32 to vector<16xi32>
        %parallel_loop3A_578 = arith.addi %parallel_loop3A_577, %iota3A : vector<16xi32>
        %parallel_loop3A_579 = tpu.vector_load_idx %arg7[%parallel_loop3A_578, %parallel_loop3A_565] : memref<128x64xf32, #tpu.memory_space<vmem>>[vector<16xi32>, vector<16xi32>], vector<16xf32>,
        %parallel_loop3A_580 = arith.constant 8.000000e+00 : f32
        %parallel_loop3A_581 = vector.broadcast %parallel_loop3A_580 : f32 to vector<16xf32>
        %parallel_loop3A_582 = arith.mulf %parallel_loop3A_579, %parallel_loop3A_581 : vector<16xf32>
        %parallel_loop3A_583 = arith.index_cast %parallel_loop3A_564 : i32 to index
        %parallel_loop3A_584 = arith.constant 16 : index
        %parallel_loop3A_585 = tpu.vector_load %arg9[%parallel_loop3A_583, %parallel_loop3A_584] {strides = array<i32>} : memref<64x128xf32, #tpu.memory_space<vmem>>, vector<16xf32>,
        tpu.vector_store %arg9[%parallel_loop3A_583, %parallel_loop3A_584], %parallel_loop3A_582 {strides = array<i32>} : memref<64x128xf32, #tpu.memory_space<vmem>>, vector<16xf32>,
        %parallel_loop3A_586 = arith.constant 32 : i32
        %parallel_loop3A_587 = vector.broadcast %parallel_loop3A_586 : i32 to vector<16xi32>
        %parallel_loop3A_588 = arith.addi %parallel_loop3A_587, %iota3A : vector<16xi32>
        %parallel_loop3A_589 = tpu.vector_load_idx %arg7[%parallel_loop3A_588, %parallel_loop3A_565] : memref<128x64xf32, #tpu.memory_space<vmem>>[vector<16xi32>, vector<16xi32>], vector<16xf32>,
        %parallel_loop3A_590 = arith.constant 8.000000e+00 : f32
        %parallel_loop3A_591 = vector.broadcast %parallel_loop3A_590 : f32 to vector<16xf32>
        %parallel_loop3A_592 = arith.mulf %parallel_loop3A_589, %parallel_loop3A_591 : vector<16xf32>
        %parallel_loop3A_593 = arith.index_cast %parallel_loop3A_564 : i32 to index
        %parallel_loop3A_594 = arith.constant 32 : index
        %parallel_loop3A_595 = tpu.vector_load %arg9[%parallel_loop3A_593, %parallel_loop3A_594] {strides = array<i32>} : memref<64x128xf32, #tpu.memory_space<vmem>>, vector<16xf32>,
        tpu.vector_store %arg9[%parallel_loop3A_593, %parallel_loop3A_594], %parallel_loop3A_592 {strides = array<i32>} : memref<64x128xf32, #tpu.memory_space<vmem>>, vector<16xf32>,
        %parallel_loop3A_596 = arith.constant 48 : i32
        %parallel_loop3A_597 = vector.broadcast %parallel_loop3A_596 : i32 to vector<16xi32>
        %parallel_loop3A_598 = arith.addi %parallel_loop3A_597, %iota3A : vector<16xi32>
        %parallel_loop3A_599 = tpu.vector_load_idx %arg7[%parallel_loop3A_598, %parallel_loop3A_565] : memref<128x64xf32, #tpu.memory_space<vmem>>[vector<16xi32>, vector<16xi32>], vector<16xf32>,
        %parallel_loop3A_600 = arith.constant 8.000000e+00 : f32
        %parallel_loop3A_601 = vector.broadcast %parallel_loop3A_600 : f32 to vector<16xf32>
        %parallel_loop3A_602 = arith.mulf %parallel_loop3A_599, %parallel_loop3A_601 : vector<16xf32>
        %parallel_loop3A_603 = arith.index_cast %parallel_loop3A_564 : i32 to index
        %parallel_loop3A_604 = arith.constant 48 : index
        %parallel_loop3A_605 = tpu.vector_load %arg9[%parallel_loop3A_603, %parallel_loop3A_604] {strides = array<i32>} : memref<64x128xf32, #tpu.memory_space<vmem>>, vector<16xf32>,
        tpu.vector_store %arg9[%parallel_loop3A_603, %parallel_loop3A_604], %parallel_loop3A_602 {strides = array<i32>} : memref<64x128xf32, #tpu.memory_space<vmem>>, vector<16xf32>,
        %parallel_loop3A_606 = arith.constant 64 : i32
        %parallel_loop3A_607 = vector.broadcast %parallel_loop3A_606 : i32 to vector<16xi32>
        %parallel_loop3A_608 = arith.addi %parallel_loop3A_607, %iota3A : vector<16xi32>
        %parallel_loop3A_609 = tpu.vector_load_idx %arg7[%parallel_loop3A_608, %parallel_loop3A_565] : memref<128x64xf32, #tpu.memory_space<vmem>>[vector<16xi32>, vector<16xi32>], vector<16xf32>,
        %parallel_loop3A_610 = arith.constant 8.000000e+00 : f32
        %parallel_loop3A_611 = vector.broadcast %parallel_loop3A_610 : f32 to vector<16xf32>
        %parallel_loop3A_612 = arith.mulf %parallel_loop3A_609, %parallel_loop3A_611 : vector<16xf32>
        %parallel_loop3A_613 = arith.index_cast %parallel_loop3A_564 : i32 to index
        %parallel_loop3A_614 = arith.constant 64 : index
        %parallel_loop3A_615 = tpu.vector_load %arg9[%parallel_loop3A_613, %parallel_loop3A_614] {strides = array<i32>} : memref<64x128xf32, #tpu.memory_space<vmem>>, vector<16xf32>,
        tpu.vector_store %arg9[%parallel_loop3A_613, %parallel_loop3A_614], %parallel_loop3A_612 {strides = array<i32>} : memref<64x128xf32, #tpu.memory_space<vmem>>, vector<16xf32>,
        %parallel_loop3A_616 = arith.constant 80 : i32
        %parallel_loop3A_617 = vector.broadcast %parallel_loop3A_616 : i32 to vector<16xi32>
        %parallel_loop3A_618 = arith.addi %parallel_loop3A_617, %iota3A : vector<16xi32>
        %parallel_loop3A_619 = tpu.vector_load_idx %arg7[%parallel_loop3A_618, %parallel_loop3A_565] : memref<128x64xf32, #tpu.memory_space<vmem>>[vector<16xi32>, vector<16xi32>], vector<16xf32>,
        %parallel_loop3A_620 = arith.constant 8.000000e+00 : f32
        %parallel_loop3A_621 = vector.broadcast %parallel_loop3A_620 : f32 to vector<16xf32>
        %parallel_loop3A_622 = arith.mulf %parallel_loop3A_619, %parallel_loop3A_621 : vector<16xf32>
        %parallel_loop3A_623 = arith.index_cast %parallel_loop3A_564 : i32 to index
        %parallel_loop3A_624 = arith.constant 80 : index
        %parallel_loop3A_625 = tpu.vector_load %arg9[%parallel_loop3A_623, %parallel_loop3A_624] {strides = array<i32>} : memref<64x128xf32, #tpu.memory_space<vmem>>, vector<16xf32>,
        tpu.vector_store %arg9[%parallel_loop3A_623, %parallel_loop3A_624], %parallel_loop3A_622 {strides = array<i32>} : memref<64x128xf32, #tpu.memory_space<vmem>>, vector<16xf32>,
        %parallel_loop3A_626 = arith.constant 96 : i32
        %parallel_loop3A_627 = vector.broadcast %parallel_loop3A_626 : i32 to vector<16xi32>
        %parallel_loop3A_628 = arith.addi %parallel_loop3A_627, %iota3A : vector<16xi32>
        %parallel_loop3A_629 = tpu.vector_load_idx %arg7[%parallel_loop3A_628, %parallel_loop3A_565] : memref<128x64xf32, #tpu.memory_space<vmem>>[vector<16xi32>, vector<16xi32>], vector<16xf32>,
        %parallel_loop3A_630 = arith.constant 8.000000e+00 : f32
        %parallel_loop3A_631 = vector.broadcast %parallel_loop3A_630 : f32 to vector<16xf32>
        %parallel_loop3A_632 = arith.mulf %parallel_loop3A_629, %parallel_loop3A_631 : vector<16xf32>
        %parallel_loop3A_633 = arith.index_cast %parallel_loop3A_564 : i32 to index
        %parallel_loop3A_634 = arith.constant 96 : index
        %parallel_loop3A_635 = tpu.vector_load %arg9[%parallel_loop3A_633, %parallel_loop3A_634] {strides = array<i32>} : memref<64x128xf32, #tpu.memory_space<vmem>>, vector<16xf32>,
        tpu.vector_store %arg9[%parallel_loop3A_633, %parallel_loop3A_634], %parallel_loop3A_632 {strides = array<i32>} : memref<64x128xf32, #tpu.memory_space<vmem>>, vector<16xf32>,
        %parallel_loop3A_636 = arith.constant 112 : i32
        %parallel_loop3A_637 = vector.broadcast %parallel_loop3A_636 : i32 to vector<16xi32>
        %parallel_loop3A_638 = arith.addi %parallel_loop3A_637, %iota3A : vector<16xi32>
        %parallel_loop3A_639 = tpu.vector_load_idx %arg7[%parallel_loop3A_638, %parallel_loop3A_565] : memref<128x64xf32, #tpu.memory_space<vmem>>[vector<16xi32>, vector<16xi32>], vector<16xf32>,
        %parallel_loop3A_640 = arith.constant 8.000000e+00 : f32
        %parallel_loop3A_641 = vector.broadcast %parallel_loop3A_640 : f32 to vector<16xf32>
        %parallel_loop3A_642 = arith.mulf %parallel_loop3A_639, %parallel_loop3A_641 : vector<16xf32>
        %parallel_loop3A_643 = arith.index_cast %parallel_loop3A_564 : i32 to index
        %parallel_loop3A_644 = arith.constant 112 : index
        %parallel_loop3A_645 = tpu.vector_load %arg9[%parallel_loop3A_643, %parallel_loop3A_644] {strides = array<i32>} : memref<64x128xf32, #tpu.memory_space<vmem>>, vector<16xf32>,
        tpu.vector_store %arg9[%parallel_loop3A_643, %parallel_loop3A_644], %parallel_loop3A_642 {strides = array<i32>} : memref<64x128xf32, #tpu.memory_space<vmem>>, vector<16xf32>,
      } {sc.loop_unroll_factor = 1 : i64, sc.parallel_access}
      %dma_start3A_295 = arith.constant 0 : i32
      %dma_start3A_296 = arith.constant 0 : i32
      %dma_start3A_297 = arith.constant 0 : i32
      %dma_start3A_298 = tpu.memref_slice %arg9[%dma_start3A_296, %dma_start3A_297] : memref<64x128xf32, #tpu.memory_space<vmem>> -> memref<8x128xf32, #tpu.memory_space<vmem>>
      %dma_start3A_299 = arith.constant 0 : i32
      %dma_start3A_300 = arith.constant 0 : i32
      %dma_start3A_301 = tpu.memref_slice %arg4[%add3A_283, %dma_start3A_295, %add3A, %dma_start3A_299, %dma_start3A_300] : memref<200x8x32x8x128xf32, #tpu.memory_space<hbm>> -> memref<1x1x1x8x128xf32, #tpu.memory_space<hbm>>
      %dma_start3A_302 = tpu.memref_squeeze %dma_start3A_301 : memref<1x1x1x8x128xf32, #tpu.memory_space<hbm>> -> memref<8x128xf32, #tpu.memory_space<hbm>>
      %dma_start3A_303 = arith.constant 0 : i32
      %dma_start3A_304 = arith.constant 0 : i32
      %dma_start3A_305 = tpu.memref_slice %arg4[%add3A_283, %dma_start3A_295, %add3A, %dma_start3A_303, %dma_start3A_304] : memref<200x8x32x8x128xf32, #tpu.memory_space<hbm>> -> memref<1x1x1x8x128xf32, #tpu.memory_space<hbm>>
      %dma_start3A_306 = tpu.memref_squeeze %dma_start3A_305 : memref<1x1x1x8x128xf32, #tpu.memory_space<hbm>> -> memref<8x128xf32, #tpu.memory_space<hbm>>
      %dma_start3A_307 = arith.constant 0 : i32
      %dma_start3A_308 = arith.constant 0 : i32
      %dma_start3A_309 = tpu.memref_slice %arg9[%dma_start3A_307, %dma_start3A_308] : memref<64x128xf32, #tpu.memory_space<vmem>> -> memref<8x128xf32, #tpu.memory_space<vmem>>
      tpu.enqueue_dma source(%dma_start3A_309 : memref<8x128xf32, #tpu.memory_space<vmem>>) target(%dma_start3A_306 : memref<8x128xf32, #tpu.memory_space<hbm>>) target_semaphore(%arg13 : memref<!tpu.dma_semaphore, #tpu.memory_space<semaphore_mem>>)
      %dma_start3A_310 = arith.constant 1 : i32
      %dma_start3A_311 = arith.constant 8 : i32
      %dma_start3A_312 = arith.constant 0 : i32
      %dma_start3A_313 = tpu.memref_slice %arg9[%dma_start3A_311, %dma_start3A_312] : memref<64x128xf32, #tpu.memory_space<vmem>> -> memref<8x128xf32, #tpu.memory_space<vmem>>
      %dma_start3A_314 = arith.constant 0 : i32
      %dma_start3A_315 = arith.constant 0 : i32
      %dma_start3A_316 = tpu.memref_slice %arg4[%add3A_283, %dma_start3A_310, %add3A, %dma_start3A_314, %dma_start3A_315] : memref<200x8x32x8x128xf32, #tpu.memory_space<hbm>> -> memref<1x1x1x8x128xf32, #tpu.memory_space<hbm>>
      %dma_start3A_317 = tpu.memref_squeeze %dma_start3A_316 : memref<1x1x1x8x128xf32, #tpu.memory_space<hbm>> -> memref<8x128xf32, #tpu.memory_space<hbm>>
      %dma_start3A_318 = arith.constant 0 : i32
      %dma_start3A_319 = arith.constant 0 : i32
      %dma_start3A_320 = tpu.memref_slice %arg4[%add3A_283, %dma_start3A_310, %add3A, %dma_start3A_318, %dma_start3A_319] : memref<200x8x32x8x128xf32, #tpu.memory_space<hbm>> -> memref<1x1x1x8x128xf32, #tpu.memory_space<hbm>>
      %dma_start3A_321 = tpu.memref_squeeze %dma_start3A_320 : memref<1x1x1x8x128xf32, #tpu.memory_space<hbm>> -> memref<8x128xf32, #tpu.memory_space<hbm>>
      %dma_start3A_322 = arith.constant 8 : i32
      %dma_start3A_323 = arith.constant 0 : i32
      %dma_start3A_324 = tpu.memref_slice %arg9[%dma_start3A_322, %dma_start3A_323] : memref<64x128xf32, #tpu.memory_space<vmem>> -> memref<8x128xf32, #tpu.memory_space<vmem>>
      tpu.enqueue_dma source(%dma_start3A_324 : memref<8x128xf32, #tpu.memory_space<vmem>>) target(%dma_start3A_321 : memref<8x128xf32, #tpu.memory_space<hbm>>) target_semaphore(%arg13 : memref<!tpu.dma_semaphore, #tpu.memory_space<semaphore_mem>>)
      %dma_start3A_325 = arith.constant 2 : i32
      %dma_start3A_326 = arith.constant 16 : i32
      %dma_start3A_327 = arith.constant 0 : i32
      %dma_start3A_328 = tpu.memref_slice %arg9[%dma_start3A_326, %dma_start3A_327] : memref<64x128xf32, #tpu.memory_space<vmem>> -> memref<8x128xf32, #tpu.memory_space<vmem>>
      %dma_start3A_329 = arith.constant 0 : i32
      %dma_start3A_330 = arith.constant 0 : i32
      %dma_start3A_331 = tpu.memref_slice %arg4[%add3A_283, %dma_start3A_325, %add3A, %dma_start3A_329, %dma_start3A_330] : memref<200x8x32x8x128xf32, #tpu.memory_space<hbm>> -> memref<1x1x1x8x128xf32, #tpu.memory_space<hbm>>
      %dma_start3A_332 = tpu.memref_squeeze %dma_start3A_331 : memref<1x1x1x8x128xf32, #tpu.memory_space<hbm>> -> memref<8x128xf32, #tpu.memory_space<hbm>>
      %dma_start3A_333 = arith.constant 0 : i32
      %dma_start3A_334 = arith.constant 0 : i32
      %dma_start3A_335 = tpu.memref_slice %arg4[%add3A_283, %dma_start3A_325, %add3A, %dma_start3A_333, %dma_start3A_334] : memref<200x8x32x8x128xf32, #tpu.memory_space<hbm>> -> memref<1x1x1x8x128xf32, #tpu.memory_space<hbm>>
      %dma_start3A_336 = tpu.memref_squeeze %dma_start3A_335 : memref<1x1x1x8x128xf32, #tpu.memory_space<hbm>> -> memref<8x128xf32, #tpu.memory_space<hbm>>
      %dma_start3A_337 = arith.constant 16 : i32
      %dma_start3A_338 = arith.constant 0 : i32
      %dma_start3A_339 = tpu.memref_slice %arg9[%dma_start3A_337, %dma_start3A_338] : memref<64x128xf32, #tpu.memory_space<vmem>> -> memref<8x128xf32, #tpu.memory_space<vmem>>
      tpu.enqueue_dma source(%dma_start3A_339 : memref<8x128xf32, #tpu.memory_space<vmem>>) target(%dma_start3A_336 : memref<8x128xf32, #tpu.memory_space<hbm>>) target_semaphore(%arg13 : memref<!tpu.dma_semaphore, #tpu.memory_space<semaphore_mem>>)
      %dma_start3A_340 = arith.constant 3 : i32
      %dma_start3A_341 = arith.constant 24 : i32
      %dma_start3A_342 = arith.constant 0 : i32
      %dma_start3A_343 = tpu.memref_slice %arg9[%dma_start3A_341, %dma_start3A_342] : memref<64x128xf32, #tpu.memory_space<vmem>> -> memref<8x128xf32, #tpu.memory_space<vmem>>
      %dma_start3A_344 = arith.constant 0 : i32
      %dma_start3A_345 = arith.constant 0 : i32
      %dma_start3A_346 = tpu.memref_slice %arg4[%add3A_283, %dma_start3A_340, %add3A, %dma_start3A_344, %dma_start3A_345] : memref<200x8x32x8x128xf32, #tpu.memory_space<hbm>> -> memref<1x1x1x8x128xf32, #tpu.memory_space<hbm>>
      %dma_start3A_347 = tpu.memref_squeeze %dma_start3A_346 : memref<1x1x1x8x128xf32, #tpu.memory_space<hbm>> -> memref<8x128xf32, #tpu.memory_space<hbm>>
      %dma_start3A_348 = arith.constant 0 : i32
      %dma_start3A_349 = arith.constant 0 : i32
      %dma_start3A_350 = tpu.memref_slice %arg4[%add3A_283, %dma_start3A_340, %add3A, %dma_start3A_348, %dma_start3A_349] : memref<200x8x32x8x128xf32, #tpu.memory_space<hbm>> -> memref<1x1x1x8x128xf32, #tpu.memory_space<hbm>>
      %dma_start3A_351 = tpu.memref_squeeze %dma_start3A_350 : memref<1x1x1x8x128xf32, #tpu.memory_space<hbm>> -> memref<8x128xf32, #tpu.memory_space<hbm>>
      %dma_start3A_352 = arith.constant 24 : i32
      %dma_start3A_353 = arith.constant 0 : i32
      %dma_start3A_354 = tpu.memref_slice %arg9[%dma_start3A_352, %dma_start3A_353] : memref<64x128xf32, #tpu.memory_space<vmem>> -> memref<8x128xf32, #tpu.memory_space<vmem>>
      tpu.enqueue_dma source(%dma_start3A_354 : memref<8x128xf32, #tpu.memory_space<vmem>>) target(%dma_start3A_351 : memref<8x128xf32, #tpu.memory_space<hbm>>) target_semaphore(%arg13 : memref<!tpu.dma_semaphore, #tpu.memory_space<semaphore_mem>>)
      %dma_start3A_355 = arith.constant 4 : i32
      %dma_start3A_356 = arith.constant 32 : i32
      %dma_start3A_357 = arith.constant 0 : i32
      %dma_start3A_358 = tpu.memref_slice %arg9[%dma_start3A_356, %dma_start3A_357] : memref<64x128xf32, #tpu.memory_space<vmem>> -> memref<8x128xf32, #tpu.memory_space<vmem>>
      %dma_start3A_359 = arith.constant 0 : i32
      %dma_start3A_360 = arith.constant 0 : i32
      %dma_start3A_361 = tpu.memref_slice %arg4[%add3A_283, %dma_start3A_355, %add3A, %dma_start3A_359, %dma_start3A_360] : memref<200x8x32x8x128xf32, #tpu.memory_space<hbm>> -> memref<1x1x1x8x128xf32, #tpu.memory_space<hbm>>
      %dma_start3A_362 = tpu.memref_squeeze %dma_start3A_361 : memref<1x1x1x8x128xf32, #tpu.memory_space<hbm>> -> memref<8x128xf32, #tpu.memory_space<hbm>>
      %dma_start3A_363 = arith.constant 0 : i32
      %dma_start3A_364 = arith.constant 0 : i32
      %dma_start3A_365 = tpu.memref_slice %arg4[%add3A_283, %dma_start3A_355, %add3A, %dma_start3A_363, %dma_start3A_364] : memref<200x8x32x8x128xf32, #tpu.memory_space<hbm>> -> memref<1x1x1x8x128xf32, #tpu.memory_space<hbm>>
      %dma_start3A_366 = tpu.memref_squeeze %dma_start3A_365 : memref<1x1x1x8x128xf32, #tpu.memory_space<hbm>> -> memref<8x128xf32, #tpu.memory_space<hbm>>
      %dma_start3A_367 = arith.constant 32 : i32
      %dma_start3A_368 = arith.constant 0 : i32
      %dma_start3A_369 = tpu.memref_slice %arg9[%dma_start3A_367, %dma_start3A_368] : memref<64x128xf32, #tpu.memory_space<vmem>> -> memref<8x128xf32, #tpu.memory_space<vmem>>
      tpu.enqueue_dma source(%dma_start3A_369 : memref<8x128xf32, #tpu.memory_space<vmem>>) target(%dma_start3A_366 : memref<8x128xf32, #tpu.memory_space<hbm>>) target_semaphore(%arg13 : memref<!tpu.dma_semaphore, #tpu.memory_space<semaphore_mem>>)
      %dma_start3A_370 = arith.constant 5 : i32
      %dma_start3A_371 = arith.constant 40 : i32
      %dma_start3A_372 = arith.constant 0 : i32
      %dma_start3A_373 = tpu.memref_slice %arg9[%dma_start3A_371, %dma_start3A_372] : memref<64x128xf32, #tpu.memory_space<vmem>> -> memref<8x128xf32, #tpu.memory_space<vmem>>
      %dma_start3A_374 = arith.constant 0 : i32
      %dma_start3A_375 = arith.constant 0 : i32
      %dma_start3A_376 = tpu.memref_slice %arg4[%add3A_283, %dma_start3A_370, %add3A, %dma_start3A_374, %dma_start3A_375] : memref<200x8x32x8x128xf32, #tpu.memory_space<hbm>> -> memref<1x1x1x8x128xf32, #tpu.memory_space<hbm>>
      %dma_start3A_377 = tpu.memref_squeeze %dma_start3A_376 : memref<1x1x1x8x128xf32, #tpu.memory_space<hbm>> -> memref<8x128xf32, #tpu.memory_space<hbm>>
      %dma_start3A_378 = arith.constant 0 : i32
      %dma_start3A_379 = arith.constant 0 : i32
      %dma_start3A_380 = tpu.memref_slice %arg4[%add3A_283, %dma_start3A_370, %add3A, %dma_start3A_378, %dma_start3A_379] : memref<200x8x32x8x128xf32, #tpu.memory_space<hbm>> -> memref<1x1x1x8x128xf32, #tpu.memory_space<hbm>>
      %dma_start3A_381 = tpu.memref_squeeze %dma_start3A_380 : memref<1x1x1x8x128xf32, #tpu.memory_space<hbm>> -> memref<8x128xf32, #tpu.memory_space<hbm>>
      %dma_start3A_382 = arith.constant 40 : i32
      %dma_start3A_383 = arith.constant 0 : i32
      %dma_start3A_384 = tpu.memref_slice %arg9[%dma_start3A_382, %dma_start3A_383] : memref<64x128xf32, #tpu.memory_space<vmem>> -> memref<8x128xf32, #tpu.memory_space<vmem>>
      tpu.enqueue_dma source(%dma_start3A_384 : memref<8x128xf32, #tpu.memory_space<vmem>>) target(%dma_start3A_381 : memref<8x128xf32, #tpu.memory_space<hbm>>) target_semaphore(%arg13 : memref<!tpu.dma_semaphore, #tpu.memory_space<semaphore_mem>>)
      %dma_start3A_385 = arith.constant 6 : i32
      %dma_start3A_386 = arith.constant 48 : i32
      %dma_start3A_387 = arith.constant 0 : i32
      %dma_start3A_388 = tpu.memref_slice %arg9[%dma_start3A_386, %dma_start3A_387] : memref<64x128xf32, #tpu.memory_space<vmem>> -> memref<8x128xf32, #tpu.memory_space<vmem>>
      %dma_start3A_389 = arith.constant 0 : i32
      %dma_start3A_390 = arith.constant 0 : i32
      %dma_start3A_391 = tpu.memref_slice %arg4[%add3A_283, %dma_start3A_385, %add3A, %dma_start3A_389, %dma_start3A_390] : memref<200x8x32x8x128xf32, #tpu.memory_space<hbm>> -> memref<1x1x1x8x128xf32, #tpu.memory_space<hbm>>
      %dma_start3A_392 = tpu.memref_squeeze %dma_start3A_391 : memref<1x1x1x8x128xf32, #tpu.memory_space<hbm>> -> memref<8x128xf32, #tpu.memory_space<hbm>>
      %dma_start3A_393 = arith.constant 0 : i32
      %dma_start3A_394 = arith.constant 0 : i32
      %dma_start3A_395 = tpu.memref_slice %arg4[%add3A_283, %dma_start3A_385, %add3A, %dma_start3A_393, %dma_start3A_394] : memref<200x8x32x8x128xf32, #tpu.memory_space<hbm>> -> memref<1x1x1x8x128xf32, #tpu.memory_space<hbm>>
      %dma_start3A_396 = tpu.memref_squeeze %dma_start3A_395 : memref<1x1x1x8x128xf32, #tpu.memory_space<hbm>> -> memref<8x128xf32, #tpu.memory_space<hbm>>
      %dma_start3A_397 = arith.constant 48 : i32
      %dma_start3A_398 = arith.constant 0 : i32
      %dma_start3A_399 = tpu.memref_slice %arg9[%dma_start3A_397, %dma_start3A_398] : memref<64x128xf32, #tpu.memory_space<vmem>> -> memref<8x128xf32, #tpu.memory_space<vmem>>
      tpu.enqueue_dma source(%dma_start3A_399 : memref<8x128xf32, #tpu.memory_space<vmem>>) target(%dma_start3A_396 : memref<8x128xf32, #tpu.memory_space<hbm>>) target_semaphore(%arg13 : memref<!tpu.dma_semaphore, #tpu.memory_space<semaphore_mem>>)
      %dma_start3A_400 = arith.constant 7 : i32
      %dma_start3A_401 = arith.constant 56 : i32
      %dma_start3A_402 = arith.constant 0 : i32
      %dma_start3A_403 = tpu.memref_slice %arg9[%dma_start3A_401, %dma_start3A_402] : memref<64x128xf32, #tpu.memory_space<vmem>> -> memref<8x128xf32, #tpu.memory_space<vmem>>
      %dma_start3A_404 = arith.constant 0 : i32
      %dma_start3A_405 = arith.constant 0 : i32
      %dma_start3A_406 = tpu.memref_slice %arg4[%add3A_283, %dma_start3A_400, %add3A, %dma_start3A_404, %dma_start3A_405] : memref<200x8x32x8x128xf32, #tpu.memory_space<hbm>> -> memref<1x1x1x8x128xf32, #tpu.memory_space<hbm>>
      %dma_start3A_407 = tpu.memref_squeeze %dma_start3A_406 : memref<1x1x1x8x128xf32, #tpu.memory_space<hbm>> -> memref<8x128xf32, #tpu.memory_space<hbm>>
      %dma_start3A_408 = arith.constant 0 : i32
      %dma_start3A_409 = arith.constant 0 : i32
      %dma_start3A_410 = tpu.memref_slice %arg4[%add3A_283, %dma_start3A_400, %add3A, %dma_start3A_408, %dma_start3A_409] : memref<200x8x32x8x128xf32, #tpu.memory_space<hbm>> -> memref<1x1x1x8x128xf32, #tpu.memory_space<hbm>>
      %dma_start3A_411 = tpu.memref_squeeze %dma_start3A_410 : memref<1x1x1x8x128xf32, #tpu.memory_space<hbm>> -> memref<8x128xf32, #tpu.memory_space<hbm>>
      %dma_start3A_412 = arith.constant 56 : i32
      %dma_start3A_413 = arith.constant 0 : i32
      %dma_start3A_414 = tpu.memref_slice %arg9[%dma_start3A_412, %dma_start3A_413] : memref<64x128xf32, #tpu.memory_space<vmem>> -> memref<8x128xf32, #tpu.memory_space<vmem>>
      tpu.enqueue_dma source(%dma_start3A_414 : memref<8x128xf32, #tpu.memory_space<vmem>>) target(%dma_start3A_411 : memref<8x128xf32, #tpu.memory_space<hbm>>) target_semaphore(%arg13 : memref<!tpu.dma_semaphore, #tpu.memory_space<semaphore_mem>>)
      %add3A_415 = arith.constant 2 : i32
      %add3A_416 = arith.addi %add3A_283, %add3A_415 : i32
      %lt3A = arith.constant 200 : i32
      %lt3A_417 = arith.cmpi slt, %add3A_416, %lt3A : i32
      %convert_element_type3A_418 = arith.extui %lt3A_417 : i1 to i32
      %cond3A_419 = arith.constant 0 : i32
      %cond3A_420 = arith.cmpi ne, %convert_element_type3A_418, %cond3A_419 : i32
      scf.if %cond3A_420 {
        %add3A_564 = arith.constant 2 : i32
        %add3A_565 = arith.addi %add3A_283, %add3A_564 : i32
        %dma_start3A_566 = arith.constant 0 : i32
        %dma_start3A_567 = tpu.memref_slice %arg6[%add3A_565, %dma_start3A_566] : memref<200x128xi32, #tpu.memory_space<vmem>> -> memref<1x128xi32, #tpu.memory_space<vmem>>
        %dma_start3A_568 = tpu.memref_squeeze %dma_start3A_567 : memref<1x128xi32, #tpu.memory_space<vmem>> -> memref<128xi32, #tpu.memory_space<vmem>>
        %dma_start3A_569 = arith.constant 0 : i32
        %dma_start3A_570 = arith.constant 0 : i32
        %dma_start3A_571 = tpu.memref_slice %arg3[%dma_start3A_569, %dma_start3A_570] : memref<1000000x64xf32, #tpu.memory_space<hbm>> -> memref<1000000x64xf32, #tpu.memory_space<hbm>>
        tpu.enqueue_indirect_dma source(%dma_start3A_571 : memref<1000000x64xf32, #tpu.memory_space<hbm>>) target(%arg7 : memref<128x64xf32, #tpu.memory_space<vmem>>) offsets(%dma_start3A_568 : memref<128xi32, #tpu.memory_space<vmem>>) semaphore(%arg11 : memref<!tpu.dma_semaphore, #tpu.memory_space<semaphore_mem>>)
      } else {
      }
      %add3A_421 = arith.constant 1 : i32
      %add3A_422 = arith.addi %add3A_281, %add3A_421 : i32
      %dma_wait3A_423 = arith.constant 0 : i32
      %dma_wait3A_424 = tpu.memref_slice %arg6[%add3A_422, %dma_wait3A_423] : memref<200x128xi32, #tpu.memory_space<vmem>> -> memref<1x128xi32, #tpu.memory_space<vmem>>
      %dma_wait3A_425 = tpu.memref_squeeze %dma_wait3A_424 : memref<1x128xi32, #tpu.memory_space<vmem>> -> memref<128xi32, #tpu.memory_space<vmem>>
      %dma_wait3A_426 = arith.constant 0 : i32
      %dma_wait3A_427 = arith.constant 0 : i32
      %dma_wait3A_428 = tpu.memref_slice %arg3[%dma_wait3A_426, %dma_wait3A_427] : memref<1000000x64xf32, #tpu.memory_space<hbm>> -> memref<1000000x64xf32, #tpu.memory_space<hbm>>
      tpu.wait_indirect_dma semaphore(%arg12 : memref<!tpu.dma_semaphore, #tpu.memory_space<semaphore_mem>>) src(%dma_wait3A_428 : memref<1000000x64xf32, #tpu.memory_space<hbm>>) dst(%arg8 : memref<128x64xf32, #tpu.memory_space<vmem>>)
      %ge3A_429 = arith.constant 2 : i32
      %ge3A_430 = arith.cmpi sge, %add3A_422, %ge3A_429 : i32
      %convert_element_type3A_431 = arith.extui %ge3A_430 : i1 to i32
      %cond3A_432 = arith.constant 0 : i32
      %cond3A_433 = arith.cmpi ne, %convert_element_type3A_431, %cond3A_432 : i32
      scf.if %cond3A_433 {
        %sub3A = arith.constant 2 : i32
        %sub3A_564 = arith.subi %add3A_422, %sub3A : i32
        %dma_wait3A_565 = arith.constant 0 : i32
        %dma_wait3A_566 = arith.constant 0 : i32
        %dma_wait3A_567 = arith.constant 0 : i32
        %dma_wait3A_568 = tpu.memref_slice %arg10[%dma_wait3A_566, %dma_wait3A_567] : memref<64x128xf32, #tpu.memory_space<vmem>> -> memref<8x128xf32, #tpu.memory_space<vmem>>
        %dma_wait3A_569 = arith.constant 0 : i32
        %dma_wait3A_570 = arith.constant 0 : i32
        %dma_wait3A_571 = tpu.memref_slice %arg4[%sub3A_564, %dma_wait3A_565, %add3A, %dma_wait3A_569, %dma_wait3A_570] : memref<200x8x32x8x128xf32, #tpu.memory_space<hbm>> -> memref<1x1x1x8x128xf32, #tpu.memory_space<hbm>>
        %dma_wait3A_572 = tpu.memref_squeeze %dma_wait3A_571 : memref<1x1x1x8x128xf32, #tpu.memory_space<hbm>> -> memref<8x128xf32, #tpu.memory_space<hbm>>
        %dma_wait3A_573 = arith.constant 0 : i32
        %dma_wait3A_574 = arith.constant 0 : i32
        %dma_wait3A_575 = tpu.memref_slice %arg4[%sub3A_564, %dma_wait3A_565, %add3A, %dma_wait3A_573, %dma_wait3A_574] : memref<200x8x32x8x128xf32, #tpu.memory_space<hbm>> -> memref<1x1x1x8x128xf32, #tpu.memory_space<hbm>>
        %dma_wait3A_576 = tpu.memref_squeeze %dma_wait3A_575 : memref<1x1x1x8x128xf32, #tpu.memory_space<hbm>> -> memref<8x128xf32, #tpu.memory_space<hbm>>
        %dma_wait3A_577 = arith.constant 0 : i32
        %dma_wait3A_578 = arith.constant 0 : i32
        %dma_wait3A_579 = tpu.memref_slice %arg10[%dma_wait3A_577, %dma_wait3A_578] : memref<64x128xf32, #tpu.memory_space<vmem>> -> memref<8x128xf32, #tpu.memory_space<vmem>>
        tpu.wait_dma2 semaphore(%arg14 : memref<!tpu.dma_semaphore, #tpu.memory_space<semaphore_mem>>) src(%dma_wait3A_579 : memref<8x128xf32, #tpu.memory_space<vmem>>) dst(%dma_wait3A_576 : memref<8x128xf32, #tpu.memory_space<hbm>>)
        %dma_wait3A_580 = arith.constant 1 : i32
        %dma_wait3A_581 = arith.constant 8 : i32
        %dma_wait3A_582 = arith.constant 0 : i32
        %dma_wait3A_583 = tpu.memref_slice %arg10[%dma_wait3A_581, %dma_wait3A_582] : memref<64x128xf32, #tpu.memory_space<vmem>> -> memref<8x128xf32, #tpu.memory_space<vmem>>
        %dma_wait3A_584 = arith.constant 0 : i32
        %dma_wait3A_585 = arith.constant 0 : i32
        %dma_wait3A_586 = tpu.memref_slice %arg4[%sub3A_564, %dma_wait3A_580, %add3A, %dma_wait3A_584, %dma_wait3A_585] : memref<200x8x32x8x128xf32, #tpu.memory_space<hbm>> -> memref<1x1x1x8x128xf32, #tpu.memory_space<hbm>>
        %dma_wait3A_587 = tpu.memref_squeeze %dma_wait3A_586 : memref<1x1x1x8x128xf32, #tpu.memory_space<hbm>> -> memref<8x128xf32, #tpu.memory_space<hbm>>
        %dma_wait3A_588 = arith.constant 0 : i32
        %dma_wait3A_589 = arith.constant 0 : i32
        %dma_wait3A_590 = tpu.memref_slice %arg4[%sub3A_564, %dma_wait3A_580, %add3A, %dma_wait3A_588, %dma_wait3A_589] : memref<200x8x32x8x128xf32, #tpu.memory_space<hbm>> -> memref<1x1x1x8x128xf32, #tpu.memory_space<hbm>>
        %dma_wait3A_591 = tpu.memref_squeeze %dma_wait3A_590 : memref<1x1x1x8x128xf32, #tpu.memory_space<hbm>> -> memref<8x128xf32, #tpu.memory_space<hbm>>
        %dma_wait3A_592 = arith.constant 8 : i32
        %dma_wait3A_593 = arith.constant 0 : i32
        %dma_wait3A_594 = tpu.memref_slice %arg10[%dma_wait3A_592, %dma_wait3A_593] : memref<64x128xf32, #tpu.memory_space<vmem>> -> memref<8x128xf32, #tpu.memory_space<vmem>>
        tpu.wait_dma2 semaphore(%arg14 : memref<!tpu.dma_semaphore, #tpu.memory_space<semaphore_mem>>) src(%dma_wait3A_594 : memref<8x128xf32, #tpu.memory_space<vmem>>) dst(%dma_wait3A_591 : memref<8x128xf32, #tpu.memory_space<hbm>>)
        %dma_wait3A_595 = arith.constant 2 : i32
        %dma_wait3A_596 = arith.constant 16 : i32
        %dma_wait3A_597 = arith.constant 0 : i32
        %dma_wait3A_598 = tpu.memref_slice %arg10[%dma_wait3A_596, %dma_wait3A_597] : memref<64x128xf32, #tpu.memory_space<vmem>> -> memref<8x128xf32, #tpu.memory_space<vmem>>
        %dma_wait3A_599 = arith.constant 0 : i32
        %dma_wait3A_600 = arith.constant 0 : i32
        %dma_wait3A_601 = tpu.memref_slice %arg4[%sub3A_564, %dma_wait3A_595, %add3A, %dma_wait3A_599, %dma_wait3A_600] : memref<200x8x32x8x128xf32, #tpu.memory_space<hbm>> -> memref<1x1x1x8x128xf32, #tpu.memory_space<hbm>>
        %dma_wait3A_602 = tpu.memref_squeeze %dma_wait3A_601 : memref<1x1x1x8x128xf32, #tpu.memory_space<hbm>> -> memref<8x128xf32, #tpu.memory_space<hbm>>
        %dma_wait3A_603 = arith.constant 0 : i32
        %dma_wait3A_604 = arith.constant 0 : i32
        %dma_wait3A_605 = tpu.memref_slice %arg4[%sub3A_564, %dma_wait3A_595, %add3A, %dma_wait3A_603, %dma_wait3A_604] : memref<200x8x32x8x128xf32, #tpu.memory_space<hbm>> -> memref<1x1x1x8x128xf32, #tpu.memory_space<hbm>>
        %dma_wait3A_606 = tpu.memref_squeeze %dma_wait3A_605 : memref<1x1x1x8x128xf32, #tpu.memory_space<hbm>> -> memref<8x128xf32, #tpu.memory_space<hbm>>
        %dma_wait3A_607 = arith.constant 16 : i32
        %dma_wait3A_608 = arith.constant 0 : i32
        %dma_wait3A_609 = tpu.memref_slice %arg10[%dma_wait3A_607, %dma_wait3A_608] : memref<64x128xf32, #tpu.memory_space<vmem>> -> memref<8x128xf32, #tpu.memory_space<vmem>>
        tpu.wait_dma2 semaphore(%arg14 : memref<!tpu.dma_semaphore, #tpu.memory_space<semaphore_mem>>) src(%dma_wait3A_609 : memref<8x128xf32, #tpu.memory_space<vmem>>) dst(%dma_wait3A_606 : memref<8x128xf32, #tpu.memory_space<hbm>>)
        %dma_wait3A_610 = arith.constant 3 : i32
        %dma_wait3A_611 = arith.constant 24 : i32
        %dma_wait3A_612 = arith.constant 0 : i32
        %dma_wait3A_613 = tpu.memref_slice %arg10[%dma_wait3A_611, %dma_wait3A_612] : memref<64x128xf32, #tpu.memory_space<vmem>> -> memref<8x128xf32, #tpu.memory_space<vmem>>
        %dma_wait3A_614 = arith.constant 0 : i32
        %dma_wait3A_615 = arith.constant 0 : i32
        %dma_wait3A_616 = tpu.memref_slice %arg4[%sub3A_564, %dma_wait3A_610, %add3A, %dma_wait3A_614, %dma_wait3A_615] : memref<200x8x32x8x128xf32, #tpu.memory_space<hbm>> -> memref<1x1x1x8x128xf32, #tpu.memory_space<hbm>>
        %dma_wait3A_617 = tpu.memref_squeeze %dma_wait3A_616 : memref<1x1x1x8x128xf32, #tpu.memory_space<hbm>> -> memref<8x128xf32, #tpu.memory_space<hbm>>
        %dma_wait3A_618 = arith.constant 0 : i32
        %dma_wait3A_619 = arith.constant 0 : i32
        %dma_wait3A_620 = tpu.memref_slice %arg4[%sub3A_564, %dma_wait3A_610, %add3A, %dma_wait3A_618, %dma_wait3A_619] : memref<200x8x32x8x128xf32, #tpu.memory_space<hbm>> -> memref<1x1x1x8x128xf32, #tpu.memory_space<hbm>>
        %dma_wait3A_621 = tpu.memref_squeeze %dma_wait3A_620 : memref<1x1x1x8x128xf32, #tpu.memory_space<hbm>> -> memref<8x128xf32, #tpu.memory_space<hbm>>
        %dma_wait3A_622 = arith.constant 24 : i32
        %dma_wait3A_623 = arith.constant 0 : i32
        %dma_wait3A_624 = tpu.memref_slice %arg10[%dma_wait3A_622, %dma_wait3A_623] : memref<64x128xf32, #tpu.memory_space<vmem>> -> memref<8x128xf32, #tpu.memory_space<vmem>>
        tpu.wait_dma2 semaphore(%arg14 : memref<!tpu.dma_semaphore, #tpu.memory_space<semaphore_mem>>) src(%dma_wait3A_624 : memref<8x128xf32, #tpu.memory_space<vmem>>) dst(%dma_wait3A_621 : memref<8x128xf32, #tpu.memory_space<hbm>>)
        %dma_wait3A_625 = arith.constant 4 : i32
        %dma_wait3A_626 = arith.constant 32 : i32
        %dma_wait3A_627 = arith.constant 0 : i32
        %dma_wait3A_628 = tpu.memref_slice %arg10[%dma_wait3A_626, %dma_wait3A_627] : memref<64x128xf32, #tpu.memory_space<vmem>> -> memref<8x128xf32, #tpu.memory_space<vmem>>
        %dma_wait3A_629 = arith.constant 0 : i32
        %dma_wait3A_630 = arith.constant 0 : i32
        %dma_wait3A_631 = tpu.memref_slice %arg4[%sub3A_564, %dma_wait3A_625, %add3A, %dma_wait3A_629, %dma_wait3A_630] : memref<200x8x32x8x128xf32, #tpu.memory_space<hbm>> -> memref<1x1x1x8x128xf32, #tpu.memory_space<hbm>>
        %dma_wait3A_632 = tpu.memref_squeeze %dma_wait3A_631 : memref<1x1x1x8x128xf32, #tpu.memory_space<hbm>> -> memref<8x128xf32, #tpu.memory_space<hbm>>
        %dma_wait3A_633 = arith.constant 0 : i32
        %dma_wait3A_634 = arith.constant 0 : i32
        %dma_wait3A_635 = tpu.memref_slice %arg4[%sub3A_564, %dma_wait3A_625, %add3A, %dma_wait3A_633, %dma_wait3A_634] : memref<200x8x32x8x128xf32, #tpu.memory_space<hbm>> -> memref<1x1x1x8x128xf32, #tpu.memory_space<hbm>>
        %dma_wait3A_636 = tpu.memref_squeeze %dma_wait3A_635 : memref<1x1x1x8x128xf32, #tpu.memory_space<hbm>> -> memref<8x128xf32, #tpu.memory_space<hbm>>
        %dma_wait3A_637 = arith.constant 32 : i32
        %dma_wait3A_638 = arith.constant 0 : i32
        %dma_wait3A_639 = tpu.memref_slice %arg10[%dma_wait3A_637, %dma_wait3A_638] : memref<64x128xf32, #tpu.memory_space<vmem>> -> memref<8x128xf32, #tpu.memory_space<vmem>>
        tpu.wait_dma2 semaphore(%arg14 : memref<!tpu.dma_semaphore, #tpu.memory_space<semaphore_mem>>) src(%dma_wait3A_639 : memref<8x128xf32, #tpu.memory_space<vmem>>) dst(%dma_wait3A_636 : memref<8x128xf32, #tpu.memory_space<hbm>>)
        %dma_wait3A_640 = arith.constant 5 : i32
        %dma_wait3A_641 = arith.constant 40 : i32
        %dma_wait3A_642 = arith.constant 0 : i32
        %dma_wait3A_643 = tpu.memref_slice %arg10[%dma_wait3A_641, %dma_wait3A_642] : memref<64x128xf32, #tpu.memory_space<vmem>> -> memref<8x128xf32, #tpu.memory_space<vmem>>
        %dma_wait3A_644 = arith.constant 0 : i32
        %dma_wait3A_645 = arith.constant 0 : i32
        %dma_wait3A_646 = tpu.memref_slice %arg4[%sub3A_564, %dma_wait3A_640, %add3A, %dma_wait3A_644, %dma_wait3A_645] : memref<200x8x32x8x128xf32, #tpu.memory_space<hbm>> -> memref<1x1x1x8x128xf32, #tpu.memory_space<hbm>>
        %dma_wait3A_647 = tpu.memref_squeeze %dma_wait3A_646 : memref<1x1x1x8x128xf32, #tpu.memory_space<hbm>> -> memref<8x128xf32, #tpu.memory_space<hbm>>
        %dma_wait3A_648 = arith.constant 0 : i32
        %dma_wait3A_649 = arith.constant 0 : i32
        %dma_wait3A_650 = tpu.memref_slice %arg4[%sub3A_564, %dma_wait3A_640, %add3A, %dma_wait3A_648, %dma_wait3A_649] : memref<200x8x32x8x128xf32, #tpu.memory_space<hbm>> -> memref<1x1x1x8x128xf32, #tpu.memory_space<hbm>>
        %dma_wait3A_651 = tpu.memref_squeeze %dma_wait3A_650 : memref<1x1x1x8x128xf32, #tpu.memory_space<hbm>> -> memref<8x128xf32, #tpu.memory_space<hbm>>
        %dma_wait3A_652 = arith.constant 40 : i32
        %dma_wait3A_653 = arith.constant 0 : i32
        %dma_wait3A_654 = tpu.memref_slice %arg10[%dma_wait3A_652, %dma_wait3A_653] : memref<64x128xf32, #tpu.memory_space<vmem>> -> memref<8x128xf32, #tpu.memory_space<vmem>>
        tpu.wait_dma2 semaphore(%arg14 : memref<!tpu.dma_semaphore, #tpu.memory_space<semaphore_mem>>) src(%dma_wait3A_654 : memref<8x128xf32, #tpu.memory_space<vmem>>) dst(%dma_wait3A_651 : memref<8x128xf32, #tpu.memory_space<hbm>>)
        %dma_wait3A_655 = arith.constant 6 : i32
        %dma_wait3A_656 = arith.constant 48 : i32
        %dma_wait3A_657 = arith.constant 0 : i32
        %dma_wait3A_658 = tpu.memref_slice %arg10[%dma_wait3A_656, %dma_wait3A_657] : memref<64x128xf32, #tpu.memory_space<vmem>> -> memref<8x128xf32, #tpu.memory_space<vmem>>
        %dma_wait3A_659 = arith.constant 0 : i32
        %dma_wait3A_660 = arith.constant 0 : i32
        %dma_wait3A_661 = tpu.memref_slice %arg4[%sub3A_564, %dma_wait3A_655, %add3A, %dma_wait3A_659, %dma_wait3A_660] : memref<200x8x32x8x128xf32, #tpu.memory_space<hbm>> -> memref<1x1x1x8x128xf32, #tpu.memory_space<hbm>>
        %dma_wait3A_662 = tpu.memref_squeeze %dma_wait3A_661 : memref<1x1x1x8x128xf32, #tpu.memory_space<hbm>> -> memref<8x128xf32, #tpu.memory_space<hbm>>
        %dma_wait3A_663 = arith.constant 0 : i32
        %dma_wait3A_664 = arith.constant 0 : i32
        %dma_wait3A_665 = tpu.memref_slice %arg4[%sub3A_564, %dma_wait3A_655, %add3A, %dma_wait3A_663, %dma_wait3A_664] : memref<200x8x32x8x128xf32, #tpu.memory_space<hbm>> -> memref<1x1x1x8x128xf32, #tpu.memory_space<hbm>>
        %dma_wait3A_666 = tpu.memref_squeeze %dma_wait3A_665 : memref<1x1x1x8x128xf32, #tpu.memory_space<hbm>> -> memref<8x128xf32, #tpu.memory_space<hbm>>
        %dma_wait3A_667 = arith.constant 48 : i32
        %dma_wait3A_668 = arith.constant 0 : i32
        %dma_wait3A_669 = tpu.memref_slice %arg10[%dma_wait3A_667, %dma_wait3A_668] : memref<64x128xf32, #tpu.memory_space<vmem>> -> memref<8x128xf32, #tpu.memory_space<vmem>>
        tpu.wait_dma2 semaphore(%arg14 : memref<!tpu.dma_semaphore, #tpu.memory_space<semaphore_mem>>) src(%dma_wait3A_669 : memref<8x128xf32, #tpu.memory_space<vmem>>) dst(%dma_wait3A_666 : memref<8x128xf32, #tpu.memory_space<hbm>>)
        %dma_wait3A_670 = arith.constant 7 : i32
        %dma_wait3A_671 = arith.constant 56 : i32
        %dma_wait3A_672 = arith.constant 0 : i32
        %dma_wait3A_673 = tpu.memref_slice %arg10[%dma_wait3A_671, %dma_wait3A_672] : memref<64x128xf32, #tpu.memory_space<vmem>> -> memref<8x128xf32, #tpu.memory_space<vmem>>
        %dma_wait3A_674 = arith.constant 0 : i32
        %dma_wait3A_675 = arith.constant 0 : i32
        %dma_wait3A_676 = tpu.memref_slice %arg4[%sub3A_564, %dma_wait3A_670, %add3A, %dma_wait3A_674, %dma_wait3A_675] : memref<200x8x32x8x128xf32, #tpu.memory_space<hbm>> -> memref<1x1x1x8x128xf32, #tpu.memory_space<hbm>>
        %dma_wait3A_677 = tpu.memref_squeeze %dma_wait3A_676 : memref<1x1x1x8x128xf32, #tpu.memory_space<hbm>> -> memref<8x128xf32, #tpu.memory_space<hbm>>
        %dma_wait3A_678 = arith.constant 0 : i32
        %dma_wait3A_679 = arith.constant 0 : i32
        %dma_wait3A_680 = tpu.memref_slice %arg4[%sub3A_564, %dma_wait3A_670, %add3A, %dma_wait3A_678, %dma_wait3A_679] : memref<200x8x32x8x128xf32, #tpu.memory_space<hbm>> -> memref<1x1x1x8x128xf32, #tpu.memory_space<hbm>>
        %dma_wait3A_681 = tpu.memref_squeeze %dma_wait3A_680 : memref<1x1x1x8x128xf32, #tpu.memory_space<hbm>> -> memref<8x128xf32, #tpu.memory_space<hbm>>
        %dma_wait3A_682 = arith.constant 56 : i32
        %dma_wait3A_683 = arith.constant 0 : i32
        %dma_wait3A_684 = tpu.memref_slice %arg10[%dma_wait3A_682, %dma_wait3A_683] : memref<64x128xf32, #tpu.memory_space<vmem>> -> memref<8x128xf32, #tpu.memory_space<vmem>>
        tpu.wait_dma2 semaphore(%arg14 : memref<!tpu.dma_semaphore, #tpu.memory_space<semaphore_mem>>) src(%dma_wait3A_684 : memref<8x128xf32, #tpu.memory_space<vmem>>) dst(%dma_wait3A_681 : memref<8x128xf32, #tpu.memory_space<hbm>>)
      } else {
      }
      %parallel_loop3A_434 = arith.constant 0 : i32
      %parallel_loop3A_435 = arith.constant 64 : i32
      %parallel_loop3A_436 = arith.constant 1 : i32
      scf.for %parallel_loop3A_564 = %parallel_loop3A_434 to %parallel_loop3A_435 step %parallel_loop3A_436  : i32 {
        %parallel_loop3A_565 = vector.broadcast %parallel_loop3A_564 : i32 to vector<16xi32>
        %parallel_loop3A_566 = arith.constant 0 : i32
        %parallel_loop3A_567 = vector.broadcast %parallel_loop3A_566 : i32 to vector<16xi32>
        %parallel_loop3A_568 = arith.addi %parallel_loop3A_567, %iota3A : vector<16xi32>
        %parallel_loop3A_569 = tpu.vector_load_idx %arg8[%parallel_loop3A_568, %parallel_loop3A_565] : memref<128x64xf32, #tpu.memory_space<vmem>>[vector<16xi32>, vector<16xi32>], vector<16xf32>,
        %parallel_loop3A_570 = arith.constant 8.000000e+00 : f32
        %parallel_loop3A_571 = vector.broadcast %parallel_loop3A_570 : f32 to vector<16xf32>
        %parallel_loop3A_572 = arith.mulf %parallel_loop3A_569, %parallel_loop3A_571 : vector<16xf32>
        %parallel_loop3A_573 = arith.index_cast %parallel_loop3A_564 : i32 to index
        %parallel_loop3A_574 = arith.constant 0 : index
        %parallel_loop3A_575 = tpu.vector_load %arg10[%parallel_loop3A_573, %parallel_loop3A_574] {strides = array<i32>} : memref<64x128xf32, #tpu.memory_space<vmem>>, vector<16xf32>,
        tpu.vector_store %arg10[%parallel_loop3A_573, %parallel_loop3A_574], %parallel_loop3A_572 {strides = array<i32>} : memref<64x128xf32, #tpu.memory_space<vmem>>, vector<16xf32>,
        %parallel_loop3A_576 = arith.constant 16 : i32
        %parallel_loop3A_577 = vector.broadcast %parallel_loop3A_576 : i32 to vector<16xi32>
        %parallel_loop3A_578 = arith.addi %parallel_loop3A_577, %iota3A : vector<16xi32>
        %parallel_loop3A_579 = tpu.vector_load_idx %arg8[%parallel_loop3A_578, %parallel_loop3A_565] : memref<128x64xf32, #tpu.memory_space<vmem>>[vector<16xi32>, vector<16xi32>], vector<16xf32>,
        %parallel_loop3A_580 = arith.constant 8.000000e+00 : f32
        %parallel_loop3A_581 = vector.broadcast %parallel_loop3A_580 : f32 to vector<16xf32>
        %parallel_loop3A_582 = arith.mulf %parallel_loop3A_579, %parallel_loop3A_581 : vector<16xf32>
        %parallel_loop3A_583 = arith.index_cast %parallel_loop3A_564 : i32 to index
        %parallel_loop3A_584 = arith.constant 16 : index
        %parallel_loop3A_585 = tpu.vector_load %arg10[%parallel_loop3A_583, %parallel_loop3A_584] {strides = array<i32>} : memref<64x128xf32, #tpu.memory_space<vmem>>, vector<16xf32>,
        tpu.vector_store %arg10[%parallel_loop3A_583, %parallel_loop3A_584], %parallel_loop3A_582 {strides = array<i32>} : memref<64x128xf32, #tpu.memory_space<vmem>>, vector<16xf32>,
        %parallel_loop3A_586 = arith.constant 32 : i32
        %parallel_loop3A_587 = vector.broadcast %parallel_loop3A_586 : i32 to vector<16xi32>
        %parallel_loop3A_588 = arith.addi %parallel_loop3A_587, %iota3A : vector<16xi32>
        %parallel_loop3A_589 = tpu.vector_load_idx %arg8[%parallel_loop3A_588, %parallel_loop3A_565] : memref<128x64xf32, #tpu.memory_space<vmem>>[vector<16xi32>, vector<16xi32>], vector<16xf32>,
        %parallel_loop3A_590 = arith.constant 8.000000e+00 : f32
        %parallel_loop3A_591 = vector.broadcast %parallel_loop3A_590 : f32 to vector<16xf32>
        %parallel_loop3A_592 = arith.mulf %parallel_loop3A_589, %parallel_loop3A_591 : vector<16xf32>
        %parallel_loop3A_593 = arith.index_cast %parallel_loop3A_564 : i32 to index
        %parallel_loop3A_594 = arith.constant 32 : index
        %parallel_loop3A_595 = tpu.vector_load %arg10[%parallel_loop3A_593, %parallel_loop3A_594] {strides = array<i32>} : memref<64x128xf32, #tpu.memory_space<vmem>>, vector<16xf32>,
        tpu.vector_store %arg10[%parallel_loop3A_593, %parallel_loop3A_594], %parallel_loop3A_592 {strides = array<i32>} : memref<64x128xf32, #tpu.memory_space<vmem>>, vector<16xf32>,
        %parallel_loop3A_596 = arith.constant 48 : i32
        %parallel_loop3A_597 = vector.broadcast %parallel_loop3A_596 : i32 to vector<16xi32>
        %parallel_loop3A_598 = arith.addi %parallel_loop3A_597, %iota3A : vector<16xi32>
        %parallel_loop3A_599 = tpu.vector_load_idx %arg8[%parallel_loop3A_598, %parallel_loop3A_565] : memref<128x64xf32, #tpu.memory_space<vmem>>[vector<16xi32>, vector<16xi32>], vector<16xf32>,
        %parallel_loop3A_600 = arith.constant 8.000000e+00 : f32
        %parallel_loop3A_601 = vector.broadcast %parallel_loop3A_600 : f32 to vector<16xf32>
        %parallel_loop3A_602 = arith.mulf %parallel_loop3A_599, %parallel_loop3A_601 : vector<16xf32>
        %parallel_loop3A_603 = arith.index_cast %parallel_loop3A_564 : i32 to index
        %parallel_loop3A_604 = arith.constant 48 : index
        %parallel_loop3A_605 = tpu.vector_load %arg10[%parallel_loop3A_603, %parallel_loop3A_604] {strides = array<i32>} : memref<64x128xf32, #tpu.memory_space<vmem>>, vector<16xf32>,
        tpu.vector_store %arg10[%parallel_loop3A_603, %parallel_loop3A_604], %parallel_loop3A_602 {strides = array<i32>} : memref<64x128xf32, #tpu.memory_space<vmem>>, vector<16xf32>,
        %parallel_loop3A_606 = arith.constant 64 : i32
        %parallel_loop3A_607 = vector.broadcast %parallel_loop3A_606 : i32 to vector<16xi32>
        %parallel_loop3A_608 = arith.addi %parallel_loop3A_607, %iota3A : vector<16xi32>
        %parallel_loop3A_609 = tpu.vector_load_idx %arg8[%parallel_loop3A_608, %parallel_loop3A_565] : memref<128x64xf32, #tpu.memory_space<vmem>>[vector<16xi32>, vector<16xi32>], vector<16xf32>,
        %parallel_loop3A_610 = arith.constant 8.000000e+00 : f32
        %parallel_loop3A_611 = vector.broadcast %parallel_loop3A_610 : f32 to vector<16xf32>
        %parallel_loop3A_612 = arith.mulf %parallel_loop3A_609, %parallel_loop3A_611 : vector<16xf32>
        %parallel_loop3A_613 = arith.index_cast %parallel_loop3A_564 : i32 to index
        %parallel_loop3A_614 = arith.constant 64 : index
        %parallel_loop3A_615 = tpu.vector_load %arg10[%parallel_loop3A_613, %parallel_loop3A_614] {strides = array<i32>} : memref<64x128xf32, #tpu.memory_space<vmem>>, vector<16xf32>,
        tpu.vector_store %arg10[%parallel_loop3A_613, %parallel_loop3A_614], %parallel_loop3A_612 {strides = array<i32>} : memref<64x128xf32, #tpu.memory_space<vmem>>, vector<16xf32>,
        %parallel_loop3A_616 = arith.constant 80 : i32
        %parallel_loop3A_617 = vector.broadcast %parallel_loop3A_616 : i32 to vector<16xi32>
        %parallel_loop3A_618 = arith.addi %parallel_loop3A_617, %iota3A : vector<16xi32>
        %parallel_loop3A_619 = tpu.vector_load_idx %arg8[%parallel_loop3A_618, %parallel_loop3A_565] : memref<128x64xf32, #tpu.memory_space<vmem>>[vector<16xi32>, vector<16xi32>], vector<16xf32>,
        %parallel_loop3A_620 = arith.constant 8.000000e+00 : f32
        %parallel_loop3A_621 = vector.broadcast %parallel_loop3A_620 : f32 to vector<16xf32>
        %parallel_loop3A_622 = arith.mulf %parallel_loop3A_619, %parallel_loop3A_621 : vector<16xf32>
        %parallel_loop3A_623 = arith.index_cast %parallel_loop3A_564 : i32 to index
        %parallel_loop3A_624 = arith.constant 80 : index
        %parallel_loop3A_625 = tpu.vector_load %arg10[%parallel_loop3A_623, %parallel_loop3A_624] {strides = array<i32>} : memref<64x128xf32, #tpu.memory_space<vmem>>, vector<16xf32>,
        tpu.vector_store %arg10[%parallel_loop3A_623, %parallel_loop3A_624], %parallel_loop3A_622 {strides = array<i32>} : memref<64x128xf32, #tpu.memory_space<vmem>>, vector<16xf32>,
        %parallel_loop3A_626 = arith.constant 96 : i32
        %parallel_loop3A_627 = vector.broadcast %parallel_loop3A_626 : i32 to vector<16xi32>
        %parallel_loop3A_628 = arith.addi %parallel_loop3A_627, %iota3A : vector<16xi32>
        %parallel_loop3A_629 = tpu.vector_load_idx %arg8[%parallel_loop3A_628, %parallel_loop3A_565] : memref<128x64xf32, #tpu.memory_space<vmem>>[vector<16xi32>, vector<16xi32>], vector<16xf32>,
        %parallel_loop3A_630 = arith.constant 8.000000e+00 : f32
        %parallel_loop3A_631 = vector.broadcast %parallel_loop3A_630 : f32 to vector<16xf32>
        %parallel_loop3A_632 = arith.mulf %parallel_loop3A_629, %parallel_loop3A_631 : vector<16xf32>
        %parallel_loop3A_633 = arith.index_cast %parallel_loop3A_564 : i32 to index
        %parallel_loop3A_634 = arith.constant 96 : index
        %parallel_loop3A_635 = tpu.vector_load %arg10[%parallel_loop3A_633, %parallel_loop3A_634] {strides = array<i32>} : memref<64x128xf32, #tpu.memory_space<vmem>>, vector<16xf32>,
        tpu.vector_store %arg10[%parallel_loop3A_633, %parallel_loop3A_634], %parallel_loop3A_632 {strides = array<i32>} : memref<64x128xf32, #tpu.memory_space<vmem>>, vector<16xf32>,
        %parallel_loop3A_636 = arith.constant 112 : i32
        %parallel_loop3A_637 = vector.broadcast %parallel_loop3A_636 : i32 to vector<16xi32>
        %parallel_loop3A_638 = arith.addi %parallel_loop3A_637, %iota3A : vector<16xi32>
        %parallel_loop3A_639 = tpu.vector_load_idx %arg8[%parallel_loop3A_638, %parallel_loop3A_565] : memref<128x64xf32, #tpu.memory_space<vmem>>[vector<16xi32>, vector<16xi32>], vector<16xf32>,
        %parallel_loop3A_640 = arith.constant 8.000000e+00 : f32
        %parallel_loop3A_641 = vector.broadcast %parallel_loop3A_640 : f32 to vector<16xf32>
        %parallel_loop3A_642 = arith.mulf %parallel_loop3A_639, %parallel_loop3A_641 : vector<16xf32>
        %parallel_loop3A_643 = arith.index_cast %parallel_loop3A_564 : i32 to index
        %parallel_loop3A_644 = arith.constant 112 : index
        %parallel_loop3A_645 = tpu.vector_load %arg10[%parallel_loop3A_643, %parallel_loop3A_644] {strides = array<i32>} : memref<64x128xf32, #tpu.memory_space<vmem>>, vector<16xf32>,
        tpu.vector_store %arg10[%parallel_loop3A_643, %parallel_loop3A_644], %parallel_loop3A_642 {strides = array<i32>} : memref<64x128xf32, #tpu.memory_space<vmem>>, vector<16xf32>,
      } {sc.loop_unroll_factor = 1 : i64, sc.parallel_access}
      %dma_start3A_437 = arith.constant 0 : i32
      %dma_start3A_438 = arith.constant 0 : i32
      %dma_start3A_439 = arith.constant 0 : i32
      %dma_start3A_440 = tpu.memref_slice %arg10[%dma_start3A_438, %dma_start3A_439] : memref<64x128xf32, #tpu.memory_space<vmem>> -> memref<8x128xf32, #tpu.memory_space<vmem>>
      %dma_start3A_441 = arith.constant 0 : i32
      %dma_start3A_442 = arith.constant 0 : i32
      %dma_start3A_443 = tpu.memref_slice %arg4[%add3A_422, %dma_start3A_437, %add3A, %dma_start3A_441, %dma_start3A_442] : memref<200x8x32x8x128xf32, #tpu.memory_space<hbm>> -> memref<1x1x1x8x128xf32, #tpu.memory_space<hbm>>
      %dma_start3A_444 = tpu.memref_squeeze %dma_start3A_443 : memref<1x1x1x8x128xf32, #tpu.memory_space<hbm>> -> memref<8x128xf32, #tpu.memory_space<hbm>>
      %dma_start3A_445 = arith.constant 0 : i32
      %dma_start3A_446 = arith.constant 0 : i32
      %dma_start3A_447 = tpu.memref_slice %arg4[%add3A_422, %dma_start3A_437, %add3A, %dma_start3A_445, %dma_start3A_446] : memref<200x8x32x8x128xf32, #tpu.memory_space<hbm>> -> memref<1x1x1x8x128xf32, #tpu.memory_space<hbm>>
      %dma_start3A_448 = tpu.memref_squeeze %dma_start3A_447 : memref<1x1x1x8x128xf32, #tpu.memory_space<hbm>> -> memref<8x128xf32, #tpu.memory_space<hbm>>
      %dma_start3A_449 = arith.constant 0 : i32
      %dma_start3A_450 = arith.constant 0 : i32
      %dma_start3A_451 = tpu.memref_slice %arg10[%dma_start3A_449, %dma_start3A_450] : memref<64x128xf32, #tpu.memory_space<vmem>> -> memref<8x128xf32, #tpu.memory_space<vmem>>
      tpu.enqueue_dma source(%dma_start3A_451 : memref<8x128xf32, #tpu.memory_space<vmem>>) target(%dma_start3A_448 : memref<8x128xf32, #tpu.memory_space<hbm>>) target_semaphore(%arg14 : memref<!tpu.dma_semaphore, #tpu.memory_space<semaphore_mem>>)
      %dma_start3A_452 = arith.constant 1 : i32
      %dma_start3A_453 = arith.constant 8 : i32
      %dma_start3A_454 = arith.constant 0 : i32
      %dma_start3A_455 = tpu.memref_slice %arg10[%dma_start3A_453, %dma_start3A_454] : memref<64x128xf32, #tpu.memory_space<vmem>> -> memref<8x128xf32, #tpu.memory_space<vmem>>
      %dma_start3A_456 = arith.constant 0 : i32
      %dma_start3A_457 = arith.constant 0 : i32
      %dma_start3A_458 = tpu.memref_slice %arg4[%add3A_422, %dma_start3A_452, %add3A, %dma_start3A_456, %dma_start3A_457] : memref<200x8x32x8x128xf32, #tpu.memory_space<hbm>> -> memref<1x1x1x8x128xf32, #tpu.memory_space<hbm>>
      %dma_start3A_459 = tpu.memref_squeeze %dma_start3A_458 : memref<1x1x1x8x128xf32, #tpu.memory_space<hbm>> -> memref<8x128xf32, #tpu.memory_space<hbm>>
      %dma_start3A_460 = arith.constant 0 : i32
      %dma_start3A_461 = arith.constant 0 : i32
      %dma_start3A_462 = tpu.memref_slice %arg4[%add3A_422, %dma_start3A_452, %add3A, %dma_start3A_460, %dma_start3A_461] : memref<200x8x32x8x128xf32, #tpu.memory_space<hbm>> -> memref<1x1x1x8x128xf32, #tpu.memory_space<hbm>>
      %dma_start3A_463 = tpu.memref_squeeze %dma_start3A_462 : memref<1x1x1x8x128xf32, #tpu.memory_space<hbm>> -> memref<8x128xf32, #tpu.memory_space<hbm>>
      %dma_start3A_464 = arith.constant 8 : i32
      %dma_start3A_465 = arith.constant 0 : i32
      %dma_start3A_466 = tpu.memref_slice %arg10[%dma_start3A_464, %dma_start3A_465] : memref<64x128xf32, #tpu.memory_space<vmem>> -> memref<8x128xf32, #tpu.memory_space<vmem>>
      tpu.enqueue_dma source(%dma_start3A_466 : memref<8x128xf32, #tpu.memory_space<vmem>>) target(%dma_start3A_463 : memref<8x128xf32, #tpu.memory_space<hbm>>) target_semaphore(%arg14 : memref<!tpu.dma_semaphore, #tpu.memory_space<semaphore_mem>>)
      %dma_start3A_467 = arith.constant 2 : i32
      %dma_start3A_468 = arith.constant 16 : i32
      %dma_start3A_469 = arith.constant 0 : i32
      %dma_start3A_470 = tpu.memref_slice %arg10[%dma_start3A_468, %dma_start3A_469] : memref<64x128xf32, #tpu.memory_space<vmem>> -> memref<8x128xf32, #tpu.memory_space<vmem>>
      %dma_start3A_471 = arith.constant 0 : i32
      %dma_start3A_472 = arith.constant 0 : i32
      %dma_start3A_473 = tpu.memref_slice %arg4[%add3A_422, %dma_start3A_467, %add3A, %dma_start3A_471, %dma_start3A_472] : memref<200x8x32x8x128xf32, #tpu.memory_space<hbm>> -> memref<1x1x1x8x128xf32, #tpu.memory_space<hbm>>
      %dma_start3A_474 = tpu.memref_squeeze %dma_start3A_473 : memref<1x1x1x8x128xf32, #tpu.memory_space<hbm>> -> memref<8x128xf32, #tpu.memory_space<hbm>>
      %dma_start3A_475 = arith.constant 0 : i32
      %dma_start3A_476 = arith.constant 0 : i32
      %dma_start3A_477 = tpu.memref_slice %arg4[%add3A_422, %dma_start3A_467, %add3A, %dma_start3A_475, %dma_start3A_476] : memref<200x8x32x8x128xf32, #tpu.memory_space<hbm>> -> memref<1x1x1x8x128xf32, #tpu.memory_space<hbm>>
      %dma_start3A_478 = tpu.memref_squeeze %dma_start3A_477 : memref<1x1x1x8x128xf32, #tpu.memory_space<hbm>> -> memref<8x128xf32, #tpu.memory_space<hbm>>
      %dma_start3A_479 = arith.constant 16 : i32
      %dma_start3A_480 = arith.constant 0 : i32
      %dma_start3A_481 = tpu.memref_slice %arg10[%dma_start3A_479, %dma_start3A_480] : memref<64x128xf32, #tpu.memory_space<vmem>> -> memref<8x128xf32, #tpu.memory_space<vmem>>
      tpu.enqueue_dma source(%dma_start3A_481 : memref<8x128xf32, #tpu.memory_space<vmem>>) target(%dma_start3A_478 : memref<8x128xf32, #tpu.memory_space<hbm>>) target_semaphore(%arg14 : memref<!tpu.dma_semaphore, #tpu.memory_space<semaphore_mem>>)
      %dma_start3A_482 = arith.constant 3 : i32
      %dma_start3A_483 = arith.constant 24 : i32
      %dma_start3A_484 = arith.constant 0 : i32
      %dma_start3A_485 = tpu.memref_slice %arg10[%dma_start3A_483, %dma_start3A_484] : memref<64x128xf32, #tpu.memory_space<vmem>> -> memref<8x128xf32, #tpu.memory_space<vmem>>
      %dma_start3A_486 = arith.constant 0 : i32
      %dma_start3A_487 = arith.constant 0 : i32
      %dma_start3A_488 = tpu.memref_slice %arg4[%add3A_422, %dma_start3A_482, %add3A, %dma_start3A_486, %dma_start3A_487] : memref<200x8x32x8x128xf32, #tpu.memory_space<hbm>> -> memref<1x1x1x8x128xf32, #tpu.memory_space<hbm>>
      %dma_start3A_489 = tpu.memref_squeeze %dma_start3A_488 : memref<1x1x1x8x128xf32, #tpu.memory_space<hbm>> -> memref<8x128xf32, #tpu.memory_space<hbm>>
      %dma_start3A_490 = arith.constant 0 : i32
      %dma_start3A_491 = arith.constant 0 : i32
      %dma_start3A_492 = tpu.memref_slice %arg4[%add3A_422, %dma_start3A_482, %add3A, %dma_start3A_490, %dma_start3A_491] : memref<200x8x32x8x128xf32, #tpu.memory_space<hbm>> -> memref<1x1x1x8x128xf32, #tpu.memory_space<hbm>>
      %dma_start3A_493 = tpu.memref_squeeze %dma_start3A_492 : memref<1x1x1x8x128xf32, #tpu.memory_space<hbm>> -> memref<8x128xf32, #tpu.memory_space<hbm>>
      %dma_start3A_494 = arith.constant 24 : i32
      %dma_start3A_495 = arith.constant 0 : i32
      %dma_start3A_496 = tpu.memref_slice %arg10[%dma_start3A_494, %dma_start3A_495] : memref<64x128xf32, #tpu.memory_space<vmem>> -> memref<8x128xf32, #tpu.memory_space<vmem>>
      tpu.enqueue_dma source(%dma_start3A_496 : memref<8x128xf32, #tpu.memory_space<vmem>>) target(%dma_start3A_493 : memref<8x128xf32, #tpu.memory_space<hbm>>) target_semaphore(%arg14 : memref<!tpu.dma_semaphore, #tpu.memory_space<semaphore_mem>>)
      %dma_start3A_497 = arith.constant 4 : i32
      %dma_start3A_498 = arith.constant 32 : i32
      %dma_start3A_499 = arith.constant 0 : i32
      %dma_start3A_500 = tpu.memref_slice %arg10[%dma_start3A_498, %dma_start3A_499] : memref<64x128xf32, #tpu.memory_space<vmem>> -> memref<8x128xf32, #tpu.memory_space<vmem>>
      %dma_start3A_501 = arith.constant 0 : i32
      %dma_start3A_502 = arith.constant 0 : i32
      %dma_start3A_503 = tpu.memref_slice %arg4[%add3A_422, %dma_start3A_497, %add3A, %dma_start3A_501, %dma_start3A_502] : memref<200x8x32x8x128xf32, #tpu.memory_space<hbm>> -> memref<1x1x1x8x128xf32, #tpu.memory_space<hbm>>
      %dma_start3A_504 = tpu.memref_squeeze %dma_start3A_503 : memref<1x1x1x8x128xf32, #tpu.memory_space<hbm>> -> memref<8x128xf32, #tpu.memory_space<hbm>>
      %dma_start3A_505 = arith.constant 0 : i32
      %dma_start3A_506 = arith.constant 0 : i32
      %dma_start3A_507 = tpu.memref_slice %arg4[%add3A_422, %dma_start3A_497, %add3A, %dma_start3A_505, %dma_start3A_506] : memref<200x8x32x8x128xf32, #tpu.memory_space<hbm>> -> memref<1x1x1x8x128xf32, #tpu.memory_space<hbm>>
      %dma_start3A_508 = tpu.memref_squeeze %dma_start3A_507 : memref<1x1x1x8x128xf32, #tpu.memory_space<hbm>> -> memref<8x128xf32, #tpu.memory_space<hbm>>
      %dma_start3A_509 = arith.constant 32 : i32
      %dma_start3A_510 = arith.constant 0 : i32
      %dma_start3A_511 = tpu.memref_slice %arg10[%dma_start3A_509, %dma_start3A_510] : memref<64x128xf32, #tpu.memory_space<vmem>> -> memref<8x128xf32, #tpu.memory_space<vmem>>
      tpu.enqueue_dma source(%dma_start3A_511 : memref<8x128xf32, #tpu.memory_space<vmem>>) target(%dma_start3A_508 : memref<8x128xf32, #tpu.memory_space<hbm>>) target_semaphore(%arg14 : memref<!tpu.dma_semaphore, #tpu.memory_space<semaphore_mem>>)
      %dma_start3A_512 = arith.constant 5 : i32
      %dma_start3A_513 = arith.constant 40 : i32
      %dma_start3A_514 = arith.constant 0 : i32
      %dma_start3A_515 = tpu.memref_slice %arg10[%dma_start3A_513, %dma_start3A_514] : memref<64x128xf32, #tpu.memory_space<vmem>> -> memref<8x128xf32, #tpu.memory_space<vmem>>
      %dma_start3A_516 = arith.constant 0 : i32
      %dma_start3A_517 = arith.constant 0 : i32
      %dma_start3A_518 = tpu.memref_slice %arg4[%add3A_422, %dma_start3A_512, %add3A, %dma_start3A_516, %dma_start3A_517] : memref<200x8x32x8x128xf32, #tpu.memory_space<hbm>> -> memref<1x1x1x8x128xf32, #tpu.memory_space<hbm>>
      %dma_start3A_519 = tpu.memref_squeeze %dma_start3A_518 : memref<1x1x1x8x128xf32, #tpu.memory_space<hbm>> -> memref<8x128xf32, #tpu.memory_space<hbm>>
      %dma_start3A_520 = arith.constant 0 : i32
      %dma_start3A_521 = arith.constant 0 : i32
      %dma_start3A_522 = tpu.memref_slice %arg4[%add3A_422, %dma_start3A_512, %add3A, %dma_start3A_520, %dma_start3A_521] : memref<200x8x32x8x128xf32, #tpu.memory_space<hbm>> -> memref<1x1x1x8x128xf32, #tpu.memory_space<hbm>>
      %dma_start3A_523 = tpu.memref_squeeze %dma_start3A_522 : memref<1x1x1x8x128xf32, #tpu.memory_space<hbm>> -> memref<8x128xf32, #tpu.memory_space<hbm>>
      %dma_start3A_524 = arith.constant 40 : i32
      %dma_start3A_525 = arith.constant 0 : i32
      %dma_start3A_526 = tpu.memref_slice %arg10[%dma_start3A_524, %dma_start3A_525] : memref<64x128xf32, #tpu.memory_space<vmem>> -> memref<8x128xf32, #tpu.memory_space<vmem>>
      tpu.enqueue_dma source(%dma_start3A_526 : memref<8x128xf32, #tpu.memory_space<vmem>>) target(%dma_start3A_523 : memref<8x128xf32, #tpu.memory_space<hbm>>) target_semaphore(%arg14 : memref<!tpu.dma_semaphore, #tpu.memory_space<semaphore_mem>>)
      %dma_start3A_527 = arith.constant 6 : i32
      %dma_start3A_528 = arith.constant 48 : i32
      %dma_start3A_529 = arith.constant 0 : i32
      %dma_start3A_530 = tpu.memref_slice %arg10[%dma_start3A_528, %dma_start3A_529] : memref<64x128xf32, #tpu.memory_space<vmem>> -> memref<8x128xf32, #tpu.memory_space<vmem>>
      %dma_start3A_531 = arith.constant 0 : i32
      %dma_start3A_532 = arith.constant 0 : i32
      %dma_start3A_533 = tpu.memref_slice %arg4[%add3A_422, %dma_start3A_527, %add3A, %dma_start3A_531, %dma_start3A_532] : memref<200x8x32x8x128xf32, #tpu.memory_space<hbm>> -> memref<1x1x1x8x128xf32, #tpu.memory_space<hbm>>
      %dma_start3A_534 = tpu.memref_squeeze %dma_start3A_533 : memref<1x1x1x8x128xf32, #tpu.memory_space<hbm>> -> memref<8x128xf32, #tpu.memory_space<hbm>>
      %dma_start3A_535 = arith.constant 0 : i32
      %dma_start3A_536 = arith.constant 0 : i32
      %dma_start3A_537 = tpu.memref_slice %arg4[%add3A_422, %dma_start3A_527, %add3A, %dma_start3A_535, %dma_start3A_536] : memref<200x8x32x8x128xf32, #tpu.memory_space<hbm>> -> memref<1x1x1x8x128xf32, #tpu.memory_space<hbm>>
      %dma_start3A_538 = tpu.memref_squeeze %dma_start3A_537 : memref<1x1x1x8x128xf32, #tpu.memory_space<hbm>> -> memref<8x128xf32, #tpu.memory_space<hbm>>
      %dma_start3A_539 = arith.constant 48 : i32
      %dma_start3A_540 = arith.constant 0 : i32
      %dma_start3A_541 = tpu.memref_slice %arg10[%dma_start3A_539, %dma_start3A_540] : memref<64x128xf32, #tpu.memory_space<vmem>> -> memref<8x128xf32, #tpu.memory_space<vmem>>
      tpu.enqueue_dma source(%dma_start3A_541 : memref<8x128xf32, #tpu.memory_space<vmem>>) target(%dma_start3A_538 : memref<8x128xf32, #tpu.memory_space<hbm>>) target_semaphore(%arg14 : memref<!tpu.dma_semaphore, #tpu.memory_space<semaphore_mem>>)
      %dma_start3A_542 = arith.constant 7 : i32
      %dma_start3A_543 = arith.constant 56 : i32
      %dma_start3A_544 = arith.constant 0 : i32
      %dma_start3A_545 = tpu.memref_slice %arg10[%dma_start3A_543, %dma_start3A_544] : memref<64x128xf32, #tpu.memory_space<vmem>> -> memref<8x128xf32, #tpu.memory_space<vmem>>
      %dma_start3A_546 = arith.constant 0 : i32
      %dma_start3A_547 = arith.constant 0 : i32
      %dma_start3A_548 = tpu.memref_slice %arg4[%add3A_422, %dma_start3A_542, %add3A, %dma_start3A_546, %dma_start3A_547] : memref<200x8x32x8x128xf32, #tpu.memory_space<hbm>> -> memref<1x1x1x8x128xf32, #tpu.memory_space<hbm>>
      %dma_start3A_549 = tpu.memref_squeeze %dma_start3A_548 : memref<1x1x1x8x128xf32, #tpu.memory_space<hbm>> -> memref<8x128xf32, #tpu.memory_space<hbm>>
      %dma_start3A_550 = arith.constant 0 : i32
      %dma_start3A_551 = arith.constant 0 : i32
      %dma_start3A_552 = tpu.memref_slice %arg4[%add3A_422, %dma_start3A_542, %add3A, %dma_start3A_550, %dma_start3A_551] : memref<200x8x32x8x128xf32, #tpu.memory_space<hbm>> -> memref<1x1x1x8x128xf32, #tpu.memory_space<hbm>>
      %dma_start3A_553 = tpu.memref_squeeze %dma_start3A_552 : memref<1x1x1x8x128xf32, #tpu.memory_space<hbm>> -> memref<8x128xf32, #tpu.memory_space<hbm>>
      %dma_start3A_554 = arith.constant 56 : i32
      %dma_start3A_555 = arith.constant 0 : i32
      %dma_start3A_556 = tpu.memref_slice %arg10[%dma_start3A_554, %dma_start3A_555] : memref<64x128xf32, #tpu.memory_space<vmem>> -> memref<8x128xf32, #tpu.memory_space<vmem>>
      tpu.enqueue_dma source(%dma_start3A_556 : memref<8x128xf32, #tpu.memory_space<vmem>>) target(%dma_start3A_553 : memref<8x128xf32, #tpu.memory_space<hbm>>) target_semaphore(%arg14 : memref<!tpu.dma_semaphore, #tpu.memory_space<semaphore_mem>>)
      %add3A_557 = arith.constant 2 : i32
      %add3A_558 = arith.addi %add3A_422, %add3A_557 : i32
      %lt3A_559 = arith.constant 200 : i32
      %lt3A_560 = arith.cmpi slt, %add3A_558, %lt3A_559 : i32
      %convert_element_type3A_561 = arith.extui %lt3A_560 : i1 to i32
      %cond3A_562 = arith.constant 0 : i32
      %cond3A_563 = arith.cmpi ne, %convert_element_type3A_561, %cond3A_562 : i32
      scf.if %cond3A_563 {
        %add3A_564 = arith.constant 2 : i32
        %add3A_565 = arith.addi %add3A_422, %add3A_564 : i32
        %dma_start3A_566 = arith.constant 0 : i32
        %dma_start3A_567 = tpu.memref_slice %arg6[%add3A_565, %dma_start3A_566] : memref<200x128xi32, #tpu.memory_space<vmem>> -> memref<1x128xi32, #tpu.memory_space<vmem>>
        %dma_start3A_568 = tpu.memref_squeeze %dma_start3A_567 : memref<1x128xi32, #tpu.memory_space<vmem>> -> memref<128xi32, #tpu.memory_space<vmem>>
        %dma_start3A_569 = arith.constant 0 : i32
        %dma_start3A_570 = arith.constant 0 : i32
        %dma_start3A_571 = tpu.memref_slice %arg3[%dma_start3A_569, %dma_start3A_570] : memref<1000000x64xf32, #tpu.memory_space<hbm>> -> memref<1000000x64xf32, #tpu.memory_space<hbm>>
        tpu.enqueue_indirect_dma source(%dma_start3A_571 : memref<1000000x64xf32, #tpu.memory_space<hbm>>) target(%arg8 : memref<128x64xf32, #tpu.memory_space<vmem>>) offsets(%dma_start3A_568 : memref<128xi32, #tpu.memory_space<vmem>>) semaphore(%arg12 : memref<!tpu.dma_semaphore, #tpu.memory_space<semaphore_mem>>)
      } else {
      }
    }
    %scan3A_21 = arith.constant 100 : i32
    %dma_wait3A = arith.constant 198 : i32
    %dma_wait3A_22 = arith.constant 0 : i32
    %dma_wait3A_23 = arith.constant 0 : i32
    %dma_wait3A_24 = arith.constant 0 : i32
    %dma_wait3A_25 = tpu.memref_slice %arg9[%dma_wait3A_23, %dma_wait3A_24] : memref<64x128xf32, #tpu.memory_space<vmem>> -> memref<8x128xf32, #tpu.memory_space<vmem>>
    %dma_wait3A_26 = arith.constant 0 : i32
    %dma_wait3A_27 = arith.constant 0 : i32
    %dma_wait3A_28 = tpu.memref_slice %arg4[%dma_wait3A, %dma_wait3A_22, %add3A, %dma_wait3A_26, %dma_wait3A_27] : memref<200x8x32x8x128xf32, #tpu.memory_space<hbm>> -> memref<1x1x1x8x128xf32, #tpu.memory_space<hbm>>
    %dma_wait3A_29 = tpu.memref_squeeze %dma_wait3A_28 : memref<1x1x1x8x128xf32, #tpu.memory_space<hbm>> -> memref<8x128xf32, #tpu.memory_space<hbm>>
    %dma_wait3A_30 = arith.constant 0 : i32
    %dma_wait3A_31 = arith.constant 0 : i32
    %dma_wait3A_32 = tpu.memref_slice %arg4[%dma_wait3A, %dma_wait3A_22, %add3A, %dma_wait3A_30, %dma_wait3A_31] : memref<200x8x32x8x128xf32, #tpu.memory_space<hbm>> -> memref<1x1x1x8x128xf32, #tpu.memory_space<hbm>>
    %dma_wait3A_33 = tpu.memref_squeeze %dma_wait3A_32 : memref<1x1x1x8x128xf32, #tpu.memory_space<hbm>> -> memref<8x128xf32, #tpu.memory_space<hbm>>
    %dma_wait3A_34 = arith.constant 0 : i32
    %dma_wait3A_35 = arith.constant 0 : i32
    %dma_wait3A_36 = tpu.memref_slice %arg9[%dma_wait3A_34, %dma_wait3A_35] : memref<64x128xf32, #tpu.memory_space<vmem>> -> memref<8x128xf32, #tpu.memory_space<vmem>>
    tpu.wait_dma2 semaphore(%arg13 : memref<!tpu.dma_semaphore, #tpu.memory_space<semaphore_mem>>) src(%dma_wait3A_36 : memref<8x128xf32, #tpu.memory_space<vmem>>) dst(%dma_wait3A_33 : memref<8x128xf32, #tpu.memory_space<hbm>>)
    %dma_wait3A_37 = arith.constant 198 : i32
    %dma_wait3A_38 = arith.constant 1 : i32
    %dma_wait3A_39 = arith.constant 8 : i32
    %dma_wait3A_40 = arith.constant 0 : i32
    %dma_wait3A_41 = tpu.memref_slice %arg9[%dma_wait3A_39, %dma_wait3A_40] : memref<64x128xf32, #tpu.memory_space<vmem>> -> memref<8x128xf32, #tpu.memory_space<vmem>>
    %dma_wait3A_42 = arith.constant 0 : i32
    %dma_wait3A_43 = arith.constant 0 : i32
    %dma_wait3A_44 = tpu.memref_slice %arg4[%dma_wait3A_37, %dma_wait3A_38, %add3A, %dma_wait3A_42, %dma_wait3A_43] : memref<200x8x32x8x128xf32, #tpu.memory_space<hbm>> -> memref<1x1x1x8x128xf32, #tpu.memory_space<hbm>>
    %dma_wait3A_45 = tpu.memref_squeeze %dma_wait3A_44 : memref<1x1x1x8x128xf32, #tpu.memory_space<hbm>> -> memref<8x128xf32, #tpu.memory_space<hbm>>
    %dma_wait3A_46 = arith.constant 0 : i32
    %dma_wait3A_47 = arith.constant 0 : i32
    %dma_wait3A_48 = tpu.memref_slice %arg4[%dma_wait3A_37, %dma_wait3A_38, %add3A, %dma_wait3A_46, %dma_wait3A_47] : memref<200x8x32x8x128xf32, #tpu.memory_space<hbm>> -> memref<1x1x1x8x128xf32, #tpu.memory_space<hbm>>
    %dma_wait3A_49 = tpu.memref_squeeze %dma_wait3A_48 : memref<1x1x1x8x128xf32, #tpu.memory_space<hbm>> -> memref<8x128xf32, #tpu.memory_space<hbm>>
    %dma_wait3A_50 = arith.constant 8 : i32
    %dma_wait3A_51 = arith.constant 0 : i32
    %dma_wait3A_52 = tpu.memref_slice %arg9[%dma_wait3A_50, %dma_wait3A_51] : memref<64x128xf32, #tpu.memory_space<vmem>> -> memref<8x128xf32, #tpu.memory_space<vmem>>
    tpu.wait_dma2 semaphore(%arg13 : memref<!tpu.dma_semaphore, #tpu.memory_space<semaphore_mem>>) src(%dma_wait3A_52 : memref<8x128xf32, #tpu.memory_space<vmem>>) dst(%dma_wait3A_49 : memref<8x128xf32, #tpu.memory_space<hbm>>)
    %dma_wait3A_53 = arith.constant 198 : i32
    %dma_wait3A_54 = arith.constant 2 : i32
    %dma_wait3A_55 = arith.constant 16 : i32
    %dma_wait3A_56 = arith.constant 0 : i32
    %dma_wait3A_57 = tpu.memref_slice %arg9[%dma_wait3A_55, %dma_wait3A_56] : memref<64x128xf32, #tpu.memory_space<vmem>> -> memref<8x128xf32, #tpu.memory_space<vmem>>
    %dma_wait3A_58 = arith.constant 0 : i32
    %dma_wait3A_59 = arith.constant 0 : i32
    %dma_wait3A_60 = tpu.memref_slice %arg4[%dma_wait3A_53, %dma_wait3A_54, %add3A, %dma_wait3A_58, %dma_wait3A_59] : memref<200x8x32x8x128xf32, #tpu.memory_space<hbm>> -> memref<1x1x1x8x128xf32, #tpu.memory_space<hbm>>
    %dma_wait3A_61 = tpu.memref_squeeze %dma_wait3A_60 : memref<1x1x1x8x128xf32, #tpu.memory_space<hbm>> -> memref<8x128xf32, #tpu.memory_space<hbm>>
    %dma_wait3A_62 = arith.constant 0 : i32
    %dma_wait3A_63 = arith.constant 0 : i32
    %dma_wait3A_64 = tpu.memref_slice %arg4[%dma_wait3A_53, %dma_wait3A_54, %add3A, %dma_wait3A_62, %dma_wait3A_63] : memref<200x8x32x8x128xf32, #tpu.memory_space<hbm>> -> memref<1x1x1x8x128xf32, #tpu.memory_space<hbm>>
    %dma_wait3A_65 = tpu.memref_squeeze %dma_wait3A_64 : memref<1x1x1x8x128xf32, #tpu.memory_space<hbm>> -> memref<8x128xf32, #tpu.memory_space<hbm>>
    %dma_wait3A_66 = arith.constant 16 : i32
    %dma_wait3A_67 = arith.constant 0 : i32
    %dma_wait3A_68 = tpu.memref_slice %arg9[%dma_wait3A_66, %dma_wait3A_67] : memref<64x128xf32, #tpu.memory_space<vmem>> -> memref<8x128xf32, #tpu.memory_space<vmem>>
    tpu.wait_dma2 semaphore(%arg13 : memref<!tpu.dma_semaphore, #tpu.memory_space<semaphore_mem>>) src(%dma_wait3A_68 : memref<8x128xf32, #tpu.memory_space<vmem>>) dst(%dma_wait3A_65 : memref<8x128xf32, #tpu.memory_space<hbm>>)
    %dma_wait3A_69 = arith.constant 198 : i32
    %dma_wait3A_70 = arith.constant 3 : i32
    %dma_wait3A_71 = arith.constant 24 : i32
    %dma_wait3A_72 = arith.constant 0 : i32
    %dma_wait3A_73 = tpu.memref_slice %arg9[%dma_wait3A_71, %dma_wait3A_72] : memref<64x128xf32, #tpu.memory_space<vmem>> -> memref<8x128xf32, #tpu.memory_space<vmem>>
    %dma_wait3A_74 = arith.constant 0 : i32
    %dma_wait3A_75 = arith.constant 0 : i32
    %dma_wait3A_76 = tpu.memref_slice %arg4[%dma_wait3A_69, %dma_wait3A_70, %add3A, %dma_wait3A_74, %dma_wait3A_75] : memref<200x8x32x8x128xf32, #tpu.memory_space<hbm>> -> memref<1x1x1x8x128xf32, #tpu.memory_space<hbm>>
    %dma_wait3A_77 = tpu.memref_squeeze %dma_wait3A_76 : memref<1x1x1x8x128xf32, #tpu.memory_space<hbm>> -> memref<8x128xf32, #tpu.memory_space<hbm>>
    %dma_wait3A_78 = arith.constant 0 : i32
    %dma_wait3A_79 = arith.constant 0 : i32
    %dma_wait3A_80 = tpu.memref_slice %arg4[%dma_wait3A_69, %dma_wait3A_70, %add3A, %dma_wait3A_78, %dma_wait3A_79] : memref<200x8x32x8x128xf32, #tpu.memory_space<hbm>> -> memref<1x1x1x8x128xf32, #tpu.memory_space<hbm>>
    %dma_wait3A_81 = tpu.memref_squeeze %dma_wait3A_80 : memref<1x1x1x8x128xf32, #tpu.memory_space<hbm>> -> memref<8x128xf32, #tpu.memory_space<hbm>>
    %dma_wait3A_82 = arith.constant 24 : i32
    %dma_wait3A_83 = arith.constant 0 : i32
    %dma_wait3A_84 = tpu.memref_slice %arg9[%dma_wait3A_82, %dma_wait3A_83] : memref<64x128xf32, #tpu.memory_space<vmem>> -> memref<8x128xf32, #tpu.memory_space<vmem>>
    tpu.wait_dma2 semaphore(%arg13 : memref<!tpu.dma_semaphore, #tpu.memory_space<semaphore_mem>>) src(%dma_wait3A_84 : memref<8x128xf32, #tpu.memory_space<vmem>>) dst(%dma_wait3A_81 : memref<8x128xf32, #tpu.memory_space<hbm>>)
    %dma_wait3A_85 = arith.constant 198 : i32
    %dma_wait3A_86 = arith.constant 4 : i32
    %dma_wait3A_87 = arith.constant 32 : i32
    %dma_wait3A_88 = arith.constant 0 : i32
    %dma_wait3A_89 = tpu.memref_slice %arg9[%dma_wait3A_87, %dma_wait3A_88] : memref<64x128xf32, #tpu.memory_space<vmem>> -> memref<8x128xf32, #tpu.memory_space<vmem>>
    %dma_wait3A_90 = arith.constant 0 : i32
    %dma_wait3A_91 = arith.constant 0 : i32
    %dma_wait3A_92 = tpu.memref_slice %arg4[%dma_wait3A_85, %dma_wait3A_86, %add3A, %dma_wait3A_90, %dma_wait3A_91] : memref<200x8x32x8x128xf32, #tpu.memory_space<hbm>> -> memref<1x1x1x8x128xf32, #tpu.memory_space<hbm>>
    %dma_wait3A_93 = tpu.memref_squeeze %dma_wait3A_92 : memref<1x1x1x8x128xf32, #tpu.memory_space<hbm>> -> memref<8x128xf32, #tpu.memory_space<hbm>>
    %dma_wait3A_94 = arith.constant 0 : i32
    %dma_wait3A_95 = arith.constant 0 : i32
    %dma_wait3A_96 = tpu.memref_slice %arg4[%dma_wait3A_85, %dma_wait3A_86, %add3A, %dma_wait3A_94, %dma_wait3A_95] : memref<200x8x32x8x128xf32, #tpu.memory_space<hbm>> -> memref<1x1x1x8x128xf32, #tpu.memory_space<hbm>>
    %dma_wait3A_97 = tpu.memref_squeeze %dma_wait3A_96 : memref<1x1x1x8x128xf32, #tpu.memory_space<hbm>> -> memref<8x128xf32, #tpu.memory_space<hbm>>
    %dma_wait3A_98 = arith.constant 32 : i32
    %dma_wait3A_99 = arith.constant 0 : i32
    %dma_wait3A_100 = tpu.memref_slice %arg9[%dma_wait3A_98, %dma_wait3A_99] : memref<64x128xf32, #tpu.memory_space<vmem>> -> memref<8x128xf32, #tpu.memory_space<vmem>>
    tpu.wait_dma2 semaphore(%arg13 : memref<!tpu.dma_semaphore, #tpu.memory_space<semaphore_mem>>) src(%dma_wait3A_100 : memref<8x128xf32, #tpu.memory_space<vmem>>) dst(%dma_wait3A_97 : memref<8x128xf32, #tpu.memory_space<hbm>>)
    %dma_wait3A_101 = arith.constant 198 : i32
    %dma_wait3A_102 = arith.constant 5 : i32
    %dma_wait3A_103 = arith.constant 40 : i32
    %dma_wait3A_104 = arith.constant 0 : i32
    %dma_wait3A_105 = tpu.memref_slice %arg9[%dma_wait3A_103, %dma_wait3A_104] : memref<64x128xf32, #tpu.memory_space<vmem>> -> memref<8x128xf32, #tpu.memory_space<vmem>>
    %dma_wait3A_106 = arith.constant 0 : i32
    %dma_wait3A_107 = arith.constant 0 : i32
    %dma_wait3A_108 = tpu.memref_slice %arg4[%dma_wait3A_101, %dma_wait3A_102, %add3A, %dma_wait3A_106, %dma_wait3A_107] : memref<200x8x32x8x128xf32, #tpu.memory_space<hbm>> -> memref<1x1x1x8x128xf32, #tpu.memory_space<hbm>>
    %dma_wait3A_109 = tpu.memref_squeeze %dma_wait3A_108 : memref<1x1x1x8x128xf32, #tpu.memory_space<hbm>> -> memref<8x128xf32, #tpu.memory_space<hbm>>
    %dma_wait3A_110 = arith.constant 0 : i32
    %dma_wait3A_111 = arith.constant 0 : i32
    %dma_wait3A_112 = tpu.memref_slice %arg4[%dma_wait3A_101, %dma_wait3A_102, %add3A, %dma_wait3A_110, %dma_wait3A_111] : memref<200x8x32x8x128xf32, #tpu.memory_space<hbm>> -> memref<1x1x1x8x128xf32, #tpu.memory_space<hbm>>
    %dma_wait3A_113 = tpu.memref_squeeze %dma_wait3A_112 : memref<1x1x1x8x128xf32, #tpu.memory_space<hbm>> -> memref<8x128xf32, #tpu.memory_space<hbm>>
    %dma_wait3A_114 = arith.constant 40 : i32
    %dma_wait3A_115 = arith.constant 0 : i32
    %dma_wait3A_116 = tpu.memref_slice %arg9[%dma_wait3A_114, %dma_wait3A_115] : memref<64x128xf32, #tpu.memory_space<vmem>> -> memref<8x128xf32, #tpu.memory_space<vmem>>
    tpu.wait_dma2 semaphore(%arg13 : memref<!tpu.dma_semaphore, #tpu.memory_space<semaphore_mem>>) src(%dma_wait3A_116 : memref<8x128xf32, #tpu.memory_space<vmem>>) dst(%dma_wait3A_113 : memref<8x128xf32, #tpu.memory_space<hbm>>)
    %dma_wait3A_117 = arith.constant 198 : i32
    %dma_wait3A_118 = arith.constant 6 : i32
    %dma_wait3A_119 = arith.constant 48 : i32
    %dma_wait3A_120 = arith.constant 0 : i32
    %dma_wait3A_121 = tpu.memref_slice %arg9[%dma_wait3A_119, %dma_wait3A_120] : memref<64x128xf32, #tpu.memory_space<vmem>> -> memref<8x128xf32, #tpu.memory_space<vmem>>
    %dma_wait3A_122 = arith.constant 0 : i32
    %dma_wait3A_123 = arith.constant 0 : i32
    %dma_wait3A_124 = tpu.memref_slice %arg4[%dma_wait3A_117, %dma_wait3A_118, %add3A, %dma_wait3A_122, %dma_wait3A_123] : memref<200x8x32x8x128xf32, #tpu.memory_space<hbm>> -> memref<1x1x1x8x128xf32, #tpu.memory_space<hbm>>
    %dma_wait3A_125 = tpu.memref_squeeze %dma_wait3A_124 : memref<1x1x1x8x128xf32, #tpu.memory_space<hbm>> -> memref<8x128xf32, #tpu.memory_space<hbm>>
    %dma_wait3A_126 = arith.constant 0 : i32
    %dma_wait3A_127 = arith.constant 0 : i32
    %dma_wait3A_128 = tpu.memref_slice %arg4[%dma_wait3A_117, %dma_wait3A_118, %add3A, %dma_wait3A_126, %dma_wait3A_127] : memref<200x8x32x8x128xf32, #tpu.memory_space<hbm>> -> memref<1x1x1x8x128xf32, #tpu.memory_space<hbm>>
    %dma_wait3A_129 = tpu.memref_squeeze %dma_wait3A_128 : memref<1x1x1x8x128xf32, #tpu.memory_space<hbm>> -> memref<8x128xf32, #tpu.memory_space<hbm>>
    %dma_wait3A_130 = arith.constant 48 : i32
    %dma_wait3A_131 = arith.constant 0 : i32
    %dma_wait3A_132 = tpu.memref_slice %arg9[%dma_wait3A_130, %dma_wait3A_131] : memref<64x128xf32, #tpu.memory_space<vmem>> -> memref<8x128xf32, #tpu.memory_space<vmem>>
    tpu.wait_dma2 semaphore(%arg13 : memref<!tpu.dma_semaphore, #tpu.memory_space<semaphore_mem>>) src(%dma_wait3A_132 : memref<8x128xf32, #tpu.memory_space<vmem>>) dst(%dma_wait3A_129 : memref<8x128xf32, #tpu.memory_space<hbm>>)
    %dma_wait3A_133 = arith.constant 198 : i32
    %dma_wait3A_134 = arith.constant 7 : i32
    %dma_wait3A_135 = arith.constant 56 : i32
    %dma_wait3A_136 = arith.constant 0 : i32
    %dma_wait3A_137 = tpu.memref_slice %arg9[%dma_wait3A_135, %dma_wait3A_136] : memref<64x128xf32, #tpu.memory_space<vmem>> -> memref<8x128xf32, #tpu.memory_space<vmem>>
    %dma_wait3A_138 = arith.constant 0 : i32
    %dma_wait3A_139 = arith.constant 0 : i32
    %dma_wait3A_140 = tpu.memref_slice %arg4[%dma_wait3A_133, %dma_wait3A_134, %add3A, %dma_wait3A_138, %dma_wait3A_139] : memref<200x8x32x8x128xf32, #tpu.memory_space<hbm>> -> memref<1x1x1x8x128xf32, #tpu.memory_space<hbm>>
    %dma_wait3A_141 = tpu.memref_squeeze %dma_wait3A_140 : memref<1x1x1x8x128xf32, #tpu.memory_space<hbm>> -> memref<8x128xf32, #tpu.memory_space<hbm>>
    %dma_wait3A_142 = arith.constant 0 : i32
    %dma_wait3A_143 = arith.constant 0 : i32
    %dma_wait3A_144 = tpu.memref_slice %arg4[%dma_wait3A_133, %dma_wait3A_134, %add3A, %dma_wait3A_142, %dma_wait3A_143] : memref<200x8x32x8x128xf32, #tpu.memory_space<hbm>> -> memref<1x1x1x8x128xf32, #tpu.memory_space<hbm>>
    %dma_wait3A_145 = tpu.memref_squeeze %dma_wait3A_144 : memref<1x1x1x8x128xf32, #tpu.memory_space<hbm>> -> memref<8x128xf32, #tpu.memory_space<hbm>>
    %dma_wait3A_146 = arith.constant 56 : i32
    %dma_wait3A_147 = arith.constant 0 : i32
    %dma_wait3A_148 = tpu.memref_slice %arg9[%dma_wait3A_146, %dma_wait3A_147] : memref<64x128xf32, #tpu.memory_space<vmem>> -> memref<8x128xf32, #tpu.memory_space<vmem>>
    tpu.wait_dma2 semaphore(%arg13 : memref<!tpu.dma_semaphore, #tpu.memory_space<semaphore_mem>>) src(%dma_wait3A_148 : memref<8x128xf32, #tpu.memory_space<vmem>>) dst(%dma_wait3A_145 : memref<8x128xf32, #tpu.memory_space<hbm>>)
    %dma_wait3A_149 = arith.constant 199 : i32
    %dma_wait3A_150 = arith.constant 0 : i32
    %dma_wait3A_151 = arith.constant 0 : i32
    %dma_wait3A_152 = arith.constant 0 : i32
    %dma_wait3A_153 = tpu.memref_slice %arg10[%dma_wait3A_151, %dma_wait3A_152] : memref<64x128xf32, #tpu.memory_space<vmem>> -> memref<8x128xf32, #tpu.memory_space<vmem>>
    %dma_wait3A_154 = arith.constant 0 : i32
    %dma_wait3A_155 = arith.constant 0 : i32
    %dma_wait3A_156 = tpu.memref_slice %arg4[%dma_wait3A_149, %dma_wait3A_150, %add3A, %dma_wait3A_154, %dma_wait3A_155] : memref<200x8x32x8x128xf32, #tpu.memory_space<hbm>> -> memref<1x1x1x8x128xf32, #tpu.memory_space<hbm>>
    %dma_wait3A_157 = tpu.memref_squeeze %dma_wait3A_156 : memref<1x1x1x8x128xf32, #tpu.memory_space<hbm>> -> memref<8x128xf32, #tpu.memory_space<hbm>>
    %dma_wait3A_158 = arith.constant 0 : i32
    %dma_wait3A_159 = arith.constant 0 : i32
    %dma_wait3A_160 = tpu.memref_slice %arg4[%dma_wait3A_149, %dma_wait3A_150, %add3A, %dma_wait3A_158, %dma_wait3A_159] : memref<200x8x32x8x128xf32, #tpu.memory_space<hbm>> -> memref<1x1x1x8x128xf32, #tpu.memory_space<hbm>>
    %dma_wait3A_161 = tpu.memref_squeeze %dma_wait3A_160 : memref<1x1x1x8x128xf32, #tpu.memory_space<hbm>> -> memref<8x128xf32, #tpu.memory_space<hbm>>
    %dma_wait3A_162 = arith.constant 0 : i32
    %dma_wait3A_163 = arith.constant 0 : i32
    %dma_wait3A_164 = tpu.memref_slice %arg10[%dma_wait3A_162, %dma_wait3A_163] : memref<64x128xf32, #tpu.memory_space<vmem>> -> memref<8x128xf32, #tpu.memory_space<vmem>>
    tpu.wait_dma2 semaphore(%arg14 : memref<!tpu.dma_semaphore, #tpu.memory_space<semaphore_mem>>) src(%dma_wait3A_164 : memref<8x128xf32, #tpu.memory_space<vmem>>) dst(%dma_wait3A_161 : memref<8x128xf32, #tpu.memory_space<hbm>>)
    %dma_wait3A_165 = arith.constant 199 : i32
    %dma_wait3A_166 = arith.constant 1 : i32
    %dma_wait3A_167 = arith.constant 8 : i32
    %dma_wait3A_168 = arith.constant 0 : i32
    %dma_wait3A_169 = tpu.memref_slice %arg10[%dma_wait3A_167, %dma_wait3A_168] : memref<64x128xf32, #tpu.memory_space<vmem>> -> memref<8x128xf32, #tpu.memory_space<vmem>>
    %dma_wait3A_170 = arith.constant 0 : i32
    %dma_wait3A_171 = arith.constant 0 : i32
    %dma_wait3A_172 = tpu.memref_slice %arg4[%dma_wait3A_165, %dma_wait3A_166, %add3A, %dma_wait3A_170, %dma_wait3A_171] : memref<200x8x32x8x128xf32, #tpu.memory_space<hbm>> -> memref<1x1x1x8x128xf32, #tpu.memory_space<hbm>>
    %dma_wait3A_173 = tpu.memref_squeeze %dma_wait3A_172 : memref<1x1x1x8x128xf32, #tpu.memory_space<hbm>> -> memref<8x128xf32, #tpu.memory_space<hbm>>
    %dma_wait3A_174 = arith.constant 0 : i32
    %dma_wait3A_175 = arith.constant 0 : i32
    %dma_wait3A_176 = tpu.memref_slice %arg4[%dma_wait3A_165, %dma_wait3A_166, %add3A, %dma_wait3A_174, %dma_wait3A_175] : memref<200x8x32x8x128xf32, #tpu.memory_space<hbm>> -> memref<1x1x1x8x128xf32, #tpu.memory_space<hbm>>
    %dma_wait3A_177 = tpu.memref_squeeze %dma_wait3A_176 : memref<1x1x1x8x128xf32, #tpu.memory_space<hbm>> -> memref<8x128xf32, #tpu.memory_space<hbm>>
    %dma_wait3A_178 = arith.constant 8 : i32
    %dma_wait3A_179 = arith.constant 0 : i32
    %dma_wait3A_180 = tpu.memref_slice %arg10[%dma_wait3A_178, %dma_wait3A_179] : memref<64x128xf32, #tpu.memory_space<vmem>> -> memref<8x128xf32, #tpu.memory_space<vmem>>
    tpu.wait_dma2 semaphore(%arg14 : memref<!tpu.dma_semaphore, #tpu.memory_space<semaphore_mem>>) src(%dma_wait3A_180 : memref<8x128xf32, #tpu.memory_space<vmem>>) dst(%dma_wait3A_177 : memref<8x128xf32, #tpu.memory_space<hbm>>)
    %dma_wait3A_181 = arith.constant 199 : i32
    %dma_wait3A_182 = arith.constant 2 : i32
    %dma_wait3A_183 = arith.constant 16 : i32
    %dma_wait3A_184 = arith.constant 0 : i32
    %dma_wait3A_185 = tpu.memref_slice %arg10[%dma_wait3A_183, %dma_wait3A_184] : memref<64x128xf32, #tpu.memory_space<vmem>> -> memref<8x128xf32, #tpu.memory_space<vmem>>
    %dma_wait3A_186 = arith.constant 0 : i32
    %dma_wait3A_187 = arith.constant 0 : i32
    %dma_wait3A_188 = tpu.memref_slice %arg4[%dma_wait3A_181, %dma_wait3A_182, %add3A, %dma_wait3A_186, %dma_wait3A_187] : memref<200x8x32x8x128xf32, #tpu.memory_space<hbm>> -> memref<1x1x1x8x128xf32, #tpu.memory_space<hbm>>
    %dma_wait3A_189 = tpu.memref_squeeze %dma_wait3A_188 : memref<1x1x1x8x128xf32, #tpu.memory_space<hbm>> -> memref<8x128xf32, #tpu.memory_space<hbm>>
    %dma_wait3A_190 = arith.constant 0 : i32
    %dma_wait3A_191 = arith.constant 0 : i32
    %dma_wait3A_192 = tpu.memref_slice %arg4[%dma_wait3A_181, %dma_wait3A_182, %add3A, %dma_wait3A_190, %dma_wait3A_191] : memref<200x8x32x8x128xf32, #tpu.memory_space<hbm>> -> memref<1x1x1x8x128xf32, #tpu.memory_space<hbm>>
    %dma_wait3A_193 = tpu.memref_squeeze %dma_wait3A_192 : memref<1x1x1x8x128xf32, #tpu.memory_space<hbm>> -> memref<8x128xf32, #tpu.memory_space<hbm>>
    %dma_wait3A_194 = arith.constant 16 : i32
    %dma_wait3A_195 = arith.constant 0 : i32
    %dma_wait3A_196 = tpu.memref_slice %arg10[%dma_wait3A_194, %dma_wait3A_195] : memref<64x128xf32, #tpu.memory_space<vmem>> -> memref<8x128xf32, #tpu.memory_space<vmem>>
    tpu.wait_dma2 semaphore(%arg14 : memref<!tpu.dma_semaphore, #tpu.memory_space<semaphore_mem>>) src(%dma_wait3A_196 : memref<8x128xf32, #tpu.memory_space<vmem>>) dst(%dma_wait3A_193 : memref<8x128xf32, #tpu.memory_space<hbm>>)
    %dma_wait3A_197 = arith.constant 199 : i32
    %dma_wait3A_198 = arith.constant 3 : i32
    %dma_wait3A_199 = arith.constant 24 : i32
    %dma_wait3A_200 = arith.constant 0 : i32
    %dma_wait3A_201 = tpu.memref_slice %arg10[%dma_wait3A_199, %dma_wait3A_200] : memref<64x128xf32, #tpu.memory_space<vmem>> -> memref<8x128xf32, #tpu.memory_space<vmem>>
    %dma_wait3A_202 = arith.constant 0 : i32
    %dma_wait3A_203 = arith.constant 0 : i32
    %dma_wait3A_204 = tpu.memref_slice %arg4[%dma_wait3A_197, %dma_wait3A_198, %add3A, %dma_wait3A_202, %dma_wait3A_203] : memref<200x8x32x8x128xf32, #tpu.memory_space<hbm>> -> memref<1x1x1x8x128xf32, #tpu.memory_space<hbm>>
    %dma_wait3A_205 = tpu.memref_squeeze %dma_wait3A_204 : memref<1x1x1x8x128xf32, #tpu.memory_space<hbm>> -> memref<8x128xf32, #tpu.memory_space<hbm>>
    %dma_wait3A_206 = arith.constant 0 : i32
    %dma_wait3A_207 = arith.constant 0 : i32
    %dma_wait3A_208 = tpu.memref_slice %arg4[%dma_wait3A_197, %dma_wait3A_198, %add3A, %dma_wait3A_206, %dma_wait3A_207] : memref<200x8x32x8x128xf32, #tpu.memory_space<hbm>> -> memref<1x1x1x8x128xf32, #tpu.memory_space<hbm>>
    %dma_wait3A_209 = tpu.memref_squeeze %dma_wait3A_208 : memref<1x1x1x8x128xf32, #tpu.memory_space<hbm>> -> memref<8x128xf32, #tpu.memory_space<hbm>>
    %dma_wait3A_210 = arith.constant 24 : i32
    %dma_wait3A_211 = arith.constant 0 : i32
    %dma_wait3A_212 = tpu.memref_slice %arg10[%dma_wait3A_210, %dma_wait3A_211] : memref<64x128xf32, #tpu.memory_space<vmem>> -> memref<8x128xf32, #tpu.memory_space<vmem>>
    tpu.wait_dma2 semaphore(%arg14 : memref<!tpu.dma_semaphore, #tpu.memory_space<semaphore_mem>>) src(%dma_wait3A_212 : memref<8x128xf32, #tpu.memory_space<vmem>>) dst(%dma_wait3A_209 : memref<8x128xf32, #tpu.memory_space<hbm>>)
    %dma_wait3A_213 = arith.constant 199 : i32
    %dma_wait3A_214 = arith.constant 4 : i32
    %dma_wait3A_215 = arith.constant 32 : i32
    %dma_wait3A_216 = arith.constant 0 : i32
    %dma_wait3A_217 = tpu.memref_slice %arg10[%dma_wait3A_215, %dma_wait3A_216] : memref<64x128xf32, #tpu.memory_space<vmem>> -> memref<8x128xf32, #tpu.memory_space<vmem>>
    %dma_wait3A_218 = arith.constant 0 : i32
    %dma_wait3A_219 = arith.constant 0 : i32
    %dma_wait3A_220 = tpu.memref_slice %arg4[%dma_wait3A_213, %dma_wait3A_214, %add3A, %dma_wait3A_218, %dma_wait3A_219] : memref<200x8x32x8x128xf32, #tpu.memory_space<hbm>> -> memref<1x1x1x8x128xf32, #tpu.memory_space<hbm>>
    %dma_wait3A_221 = tpu.memref_squeeze %dma_wait3A_220 : memref<1x1x1x8x128xf32, #tpu.memory_space<hbm>> -> memref<8x128xf32, #tpu.memory_space<hbm>>
    %dma_wait3A_222 = arith.constant 0 : i32
    %dma_wait3A_223 = arith.constant 0 : i32
    %dma_wait3A_224 = tpu.memref_slice %arg4[%dma_wait3A_213, %dma_wait3A_214, %add3A, %dma_wait3A_222, %dma_wait3A_223] : memref<200x8x32x8x128xf32, #tpu.memory_space<hbm>> -> memref<1x1x1x8x128xf32, #tpu.memory_space<hbm>>
    %dma_wait3A_225 = tpu.memref_squeeze %dma_wait3A_224 : memref<1x1x1x8x128xf32, #tpu.memory_space<hbm>> -> memref<8x128xf32, #tpu.memory_space<hbm>>
    %dma_wait3A_226 = arith.constant 32 : i32
    %dma_wait3A_227 = arith.constant 0 : i32
    %dma_wait3A_228 = tpu.memref_slice %arg10[%dma_wait3A_226, %dma_wait3A_227] : memref<64x128xf32, #tpu.memory_space<vmem>> -> memref<8x128xf32, #tpu.memory_space<vmem>>
    tpu.wait_dma2 semaphore(%arg14 : memref<!tpu.dma_semaphore, #tpu.memory_space<semaphore_mem>>) src(%dma_wait3A_228 : memref<8x128xf32, #tpu.memory_space<vmem>>) dst(%dma_wait3A_225 : memref<8x128xf32, #tpu.memory_space<hbm>>)
    %dma_wait3A_229 = arith.constant 199 : i32
    %dma_wait3A_230 = arith.constant 5 : i32
    %dma_wait3A_231 = arith.constant 40 : i32
    %dma_wait3A_232 = arith.constant 0 : i32
    %dma_wait3A_233 = tpu.memref_slice %arg10[%dma_wait3A_231, %dma_wait3A_232] : memref<64x128xf32, #tpu.memory_space<vmem>> -> memref<8x128xf32, #tpu.memory_space<vmem>>
    %dma_wait3A_234 = arith.constant 0 : i32
    %dma_wait3A_235 = arith.constant 0 : i32
    %dma_wait3A_236 = tpu.memref_slice %arg4[%dma_wait3A_229, %dma_wait3A_230, %add3A, %dma_wait3A_234, %dma_wait3A_235] : memref<200x8x32x8x128xf32, #tpu.memory_space<hbm>> -> memref<1x1x1x8x128xf32, #tpu.memory_space<hbm>>
    %dma_wait3A_237 = tpu.memref_squeeze %dma_wait3A_236 : memref<1x1x1x8x128xf32, #tpu.memory_space<hbm>> -> memref<8x128xf32, #tpu.memory_space<hbm>>
    %dma_wait3A_238 = arith.constant 0 : i32
    %dma_wait3A_239 = arith.constant 0 : i32
    %dma_wait3A_240 = tpu.memref_slice %arg4[%dma_wait3A_229, %dma_wait3A_230, %add3A, %dma_wait3A_238, %dma_wait3A_239] : memref<200x8x32x8x128xf32, #tpu.memory_space<hbm>> -> memref<1x1x1x8x128xf32, #tpu.memory_space<hbm>>
    %dma_wait3A_241 = tpu.memref_squeeze %dma_wait3A_240 : memref<1x1x1x8x128xf32, #tpu.memory_space<hbm>> -> memref<8x128xf32, #tpu.memory_space<hbm>>
    %dma_wait3A_242 = arith.constant 40 : i32
    %dma_wait3A_243 = arith.constant 0 : i32
    %dma_wait3A_244 = tpu.memref_slice %arg10[%dma_wait3A_242, %dma_wait3A_243] : memref<64x128xf32, #tpu.memory_space<vmem>> -> memref<8x128xf32, #tpu.memory_space<vmem>>
    tpu.wait_dma2 semaphore(%arg14 : memref<!tpu.dma_semaphore, #tpu.memory_space<semaphore_mem>>) src(%dma_wait3A_244 : memref<8x128xf32, #tpu.memory_space<vmem>>) dst(%dma_wait3A_241 : memref<8x128xf32, #tpu.memory_space<hbm>>)
    %dma_wait3A_245 = arith.constant 199 : i32
    %dma_wait3A_246 = arith.constant 6 : i32
    %dma_wait3A_247 = arith.constant 48 : i32
    %dma_wait3A_248 = arith.constant 0 : i32
    %dma_wait3A_249 = tpu.memref_slice %arg10[%dma_wait3A_247, %dma_wait3A_248] : memref<64x128xf32, #tpu.memory_space<vmem>> -> memref<8x128xf32, #tpu.memory_space<vmem>>
    %dma_wait3A_250 = arith.constant 0 : i32
    %dma_wait3A_251 = arith.constant 0 : i32
    %dma_wait3A_252 = tpu.memref_slice %arg4[%dma_wait3A_245, %dma_wait3A_246, %add3A, %dma_wait3A_250, %dma_wait3A_251] : memref<200x8x32x8x128xf32, #tpu.memory_space<hbm>> -> memref<1x1x1x8x128xf32, #tpu.memory_space<hbm>>
    %dma_wait3A_253 = tpu.memref_squeeze %dma_wait3A_252 : memref<1x1x1x8x128xf32, #tpu.memory_space<hbm>> -> memref<8x128xf32, #tpu.memory_space<hbm>>
    %dma_wait3A_254 = arith.constant 0 : i32
    %dma_wait3A_255 = arith.constant 0 : i32
    %dma_wait3A_256 = tpu.memref_slice %arg4[%dma_wait3A_245, %dma_wait3A_246, %add3A, %dma_wait3A_254, %dma_wait3A_255] : memref<200x8x32x8x128xf32, #tpu.memory_space<hbm>> -> memref<1x1x1x8x128xf32, #tpu.memory_space<hbm>>
    %dma_wait3A_257 = tpu.memref_squeeze %dma_wait3A_256 : memref<1x1x1x8x128xf32, #tpu.memory_space<hbm>> -> memref<8x128xf32, #tpu.memory_space<hbm>>
    %dma_wait3A_258 = arith.constant 48 : i32
    %dma_wait3A_259 = arith.constant 0 : i32
    %dma_wait3A_260 = tpu.memref_slice %arg10[%dma_wait3A_258, %dma_wait3A_259] : memref<64x128xf32, #tpu.memory_space<vmem>> -> memref<8x128xf32, #tpu.memory_space<vmem>>
    tpu.wait_dma2 semaphore(%arg14 : memref<!tpu.dma_semaphore, #tpu.memory_space<semaphore_mem>>) src(%dma_wait3A_260 : memref<8x128xf32, #tpu.memory_space<vmem>>) dst(%dma_wait3A_257 : memref<8x128xf32, #tpu.memory_space<hbm>>)
    %dma_wait3A_261 = arith.constant 199 : i32
    %dma_wait3A_262 = arith.constant 7 : i32
    %dma_wait3A_263 = arith.constant 56 : i32
    %dma_wait3A_264 = arith.constant 0 : i32
    %dma_wait3A_265 = tpu.memref_slice %arg10[%dma_wait3A_263, %dma_wait3A_264] : memref<64x128xf32, #tpu.memory_space<vmem>> -> memref<8x128xf32, #tpu.memory_space<vmem>>
    %dma_wait3A_266 = arith.constant 0 : i32
    %dma_wait3A_267 = arith.constant 0 : i32
    %dma_wait3A_268 = tpu.memref_slice %arg4[%dma_wait3A_261, %dma_wait3A_262, %add3A, %dma_wait3A_266, %dma_wait3A_267] : memref<200x8x32x8x128xf32, #tpu.memory_space<hbm>> -> memref<1x1x1x8x128xf32, #tpu.memory_space<hbm>>
    %dma_wait3A_269 = tpu.memref_squeeze %dma_wait3A_268 : memref<1x1x1x8x128xf32, #tpu.memory_space<hbm>> -> memref<8x128xf32, #tpu.memory_space<hbm>>
    %dma_wait3A_270 = arith.constant 0 : i32
    %dma_wait3A_271 = arith.constant 0 : i32
    %dma_wait3A_272 = tpu.memref_slice %arg4[%dma_wait3A_261, %dma_wait3A_262, %add3A, %dma_wait3A_270, %dma_wait3A_271] : memref<200x8x32x8x128xf32, #tpu.memory_space<hbm>> -> memref<1x1x1x8x128xf32, #tpu.memory_space<hbm>>
    %dma_wait3A_273 = tpu.memref_squeeze %dma_wait3A_272 : memref<1x1x1x8x128xf32, #tpu.memory_space<hbm>> -> memref<8x128xf32, #tpu.memory_space<hbm>>
    %dma_wait3A_274 = arith.constant 56 : i32
    %dma_wait3A_275 = arith.constant 0 : i32
    %dma_wait3A_276 = tpu.memref_slice %arg10[%dma_wait3A_274, %dma_wait3A_275] : memref<64x128xf32, #tpu.memory_space<vmem>> -> memref<8x128xf32, #tpu.memory_space<vmem>>
    tpu.wait_dma2 semaphore(%arg14 : memref<!tpu.dma_semaphore, #tpu.memory_space<semaphore_mem>>) src(%dma_wait3A_276 : memref<8x128xf32, #tpu.memory_space<vmem>>) dst(%dma_wait3A_273 : memref<8x128xf32, #tpu.memory_space<hbm>>)
    return
  }
}

</mosaic_0001>

<sc_bundles>
// kernel: kernel.3.cloned.1.call-start
scs
__scs_entry_jumppad:
0x0: {  	(pc) =	sbr.rel $0x88, $3  }
0x1: {  	(tag) =	ssettag $0x0;
	lr =	simm.s32 $0x1  }
0x2: {  	[smem:$0x3F9F] =	sst lr;
	_ =	strace $0xD0000000  }
0x3: {  	_ = 	snop  }
0x4: {  	_ = 	snop  }
0x5: {  	_ = 	snop  }
0x6: {  	_ = 	snop  }
0x7: {  	_ = 	snop  }
__scs_overlays_trampoline_lowered:
0x8: {  	[smem:$0x3FAE] =	sst s0  }
0x9: {  	[smem:$0x3FAF] =	sst s1  }
0xa: {  	[smem:$0x3FB0] =	sst s2  }
0xb: {  	[smem:$0x3FB1] =	sst s3  }
0xc: {  	[smem:$0x3FB2] =	sst s4  }
0xd: {  	[smem:$0x3FB3] =	sst s5  }
0xe: {  	[smem:$0x3FB4] =	sst s6  }
0xf: {  	[smem:$0x3FB5] =	sst s7  }
0x10: {  	[smem:$0x3FB6] =	sst s8  }
0x11: {  	[smem:$0x3FB7] =	sst s9;
	s0 =	simm.s32 @!p0 $0x0  }
0x12: {  	s1 =	sld [smem:$0x3F9D];
	s0 =	simm.s32 @p0 $0x1  }
0x13: {  	[smem:$0x3FB8] =	sst s0;
	s0 =	simm.s32 @!p1 $0x0  }
0x14: {  	s2 =	sld [smem:$0x3F9C];
	s0 =	simm.s32 @p1 $0x1  }
0x15: {  	[smem:$0x3FB9] =	sst s0;
	s0 =	simm.s32 @!p2 $0x0  }
0x16: {  	s3 =	sld [smem:$0x3FDB];
	s0 =	simm.s32 @p2 $0x1  }
0x17: {  	s4 =	simm.s32 $0x1BF5;
	[smem:$0x3FBB] =	sst s0  }
0x18: {  	s0 =	sld [smem:$0x3F9E];
	_ =	swait.ge [sflag:s4], $0x0  }
0x19: {  	s7 =	sld [smem:$0x3F9F]  }
0x1a: {  	s8 =	sadd.s32 $0xFFFFE003, lr  }
0x1b: {  	s9 =	sadd.s32 $0xFFFFFEF7, lr;
	s5 =	simm.s32 $0xFFFFFFFF;
	p2 =	slt.u32 s8, $0xFFFFF086  }
0x1c: {  	p1 =	slt.u32 s9, $0xF7A;
	s5 =	simm.s32 @!p2 $0x0  }
0x1d: {  	s5 =	simm.s32 @p1 $0x1;
	p0 =	seq.s32 s7, s2  }
0x1e: {  	s7 =	smul.u32 @!p0 $0xF7A, s2;
	p2 =	seq.s32 @!p0 s5, $0x0  }
0x1f: {  	s9 =	smul.u32 $0xF7A, s1;
	s8 =	simm.s32 @!p0 $0x1BF5;
	p2 =	por !p2, p0  }
0x20: {  	[sflag:s8] =	ssyncset.s32 @!p0 $0xFFFFF086;
	s6 =	sadd.s32 @!p0 s3, s7;
	s7 =	simm.s32 @!p0 $0x108  }
0x21: {  	s3 =	sadd.s32 s3, s9;
	s6 =	sadd.s32 @!p0 $0x88, s6;
	s7 =	simm.s32 @p2 $0x1082  }
0x22: {  	[simem:s7], [sflag:s8] =	dma.local @!p0 [hbm:s6], $0xF7A  }
0x23: {  	s9 =	sor.u32 $0xD0000000, s2;
	s6 =	simm.s32 $0x108;
	_ =	swait.ge @!p0 [sflag:s8], $0x0  }
0x24: {  	s3 =	sadd.s32 $0x88, s3;
	s6 =	simm.s32 @!p1 $0x1082;
	[sflag:s4] =	ssyncset.s32 $0xFFFFF086  }
0x25: {  	[simem:s6], [sflag:s4] =	dma.local [hbm:s3], $0xF7A  }
0x26: {  	[smem:$0x3F9F] =	sst s1;
	(tag) =	ssettag s2;
	_ =	strace s9  }
0x27: {  	s1 =	sld [smem:$0x3FAF]  }
0x28: {  	s2 =	sld [smem:$0x3FB0]  }
0x29: {  	s4 =	sld [smem:$0x3FB2]  }
0x2a: {  	p0 =	seq.s32 s5, $0x0;
	s5 =	sld [smem:$0x3FB3]  }
0x2b: {  	s6 =	sld [smem:$0x3FB4]  }
0x2c: {  	s7 =	sld [smem:$0x3FB5]  }
0x2d: {  	s3 =	simm.s32 $0x108;
	s8 =	sld [smem:$0x3FB6]  }
0x2e: {  	s3 =	simm.s32 @!p0 $0x1082;
	s9 =	sld [smem:$0x3FB7]  }
0x2f: {  	lr =	sadd.s32 s0, s3;
	s0 =	sld [smem:$0x3FAE]  }
0x30: {  	s3 =	sld [smem:$0x3FB1]  }
0x31: {  	[smem:$0x3FBA] =	sst s10  }
0x32: {  	s10 =	sld [smem:$0x3FB8];
	_ =	sdelay $0x3  }
0x33: {  	p0 =	seq.s32 s10, $0x1;
	s10 =	sld [smem:$0x3FBA];
	_ =	sdelay $0x3  }
0x34: {  	[smem:$0x3FBA] =	sst s10  }
0x35: {  	s10 =	sld [smem:$0x3FB9];
	_ =	sdelay $0x3  }
0x36: {  	p1 =	seq.s32 s10, $0x1;
	s10 =	sld [smem:$0x3FBA];
	_ =	sdelay $0x3  }
0x37: {  	[smem:$0x3FBA] =	sst s10  }
0x38: {  	s10 =	sld [smem:$0x3FBB]  }
0x39: {  	_ = 	snop;
	(pc) =	sbr.ind lr, $3  }
0x3a: {  	_ = 	snop  }
0x3b: {  	_ = 	snop  }
0x3c: {  	p2 =	seq.s32 s10, $0x1;
	s10 =	sld [smem:$0x3FBA]  }
0x3d: {  	_ =	shalt  }
0x3e: {  	_ =	shalt  }
0x3f: {  	_ =	shalt  }
0x40: {  	_ =	shalt  }
0x41: {  	_ =	shalt  }
0x42: {  	_ =	shalt  }
0x43: {  	_ =	shalt  }
0x44: {  	_ =	shalt  }
0x45: {  	_ =	shalt  }
0x46: {  	_ =	shalt  }
0x47: {  	_ =	shalt  }
0x48: {  	_ =	shalt  }
0x49: {  	_ =	shalt  }
0x4a: {  	_ =	shalt  }
0x4b: {  	_ =	shalt  }
0x4c: {  	_ =	shalt  }
0x4d: {  	_ =	shalt  }
0x4e: {  	_ =	shalt  }
0x4f: {  	_ =	shalt  }
0x50: {  	_ =	shalt  }
0x51: {  	_ =	shalt  }
0x52: {  	_ =	shalt  }
0x53: {  	_ =	shalt  }
0x54: {  	_ =	shalt  }
0x55: {  	_ =	shalt  }
0x56: {  	_ =	shalt  }
0x57: {  	_ =	shalt  }
0x58: {  	_ =	shalt  }
0x59: {  	_ =	shalt  }
0x5a: {  	_ =	shalt  }
0x5b: {  	_ =	shalt  }
0x5c: {  	_ =	shalt  }
0x5d: {  	_ =	shalt  }
0x5e: {  	_ =	shalt  }
0x5f: {  	_ =	shalt  }
0x60: {  	_ =	shalt  }
0x61: {  	_ =	shalt  }
0x62: {  	_ =	shalt  }
0x63: {  	_ =	shalt  }
0x64: {  	_ =	shalt  }
0x65: {  	_ =	shalt  }
0x66: {  	_ =	shalt  }
0x67: {  	_ =	shalt  }
0x68: {  	_ =	shalt  }
0x69: {  	_ =	shalt  }
0x6a: {  	_ =	shalt  }
0x6b: {  	_ =	shalt  }
0x6c: {  	_ =	shalt  }
0x6d: {  	_ =	shalt  }
0x6e: {  	_ =	shalt  }
0x6f: {  	_ =	shalt  }
0x70: {  	_ =	shalt  }
0x71: {  	_ =	shalt  }
0x72: {  	_ =	shalt  }
0x73: {  	_ =	shalt  }
0x74: {  	_ =	shalt  }
0x75: {  	_ =	shalt  }
0x76: {  	_ =	shalt  }
0x77: {  	_ =	shalt  }
0x78: {  	_ =	shalt  }
0x79: {  	_ =	shalt  }
0x7a: {  	_ =	shalt  }
0x7b: {  	_ =	shalt  }
0x7c: {  	_ =	shalt  }
0x7d: {  	_ =	shalt  }
0x7e: {  	_ =	shalt  }
0x7f: {  	_ =	shalt  }
0x80: {  	_ =	shalt  }
0x81: {  	_ =	shalt  }
0x82: {  	_ =	shalt  }
0x83: {  	_ =	shalt  }
0x84: {  	_ =	shalt  }
0x85: {  	_ =	shalt  }
0x86: {  	_ =	shalt  }
0x87: {  	_ =	shalt  }
.Lfunc_end0:
.L_simem_size_0:
called_computation_lowered:
.L_overlay_start_0:
0x88: {  	s2 =	sld [smem:$0x3FD9]  }
0x89: {  	s3 =	sld [smem:$0x3FFE];
	_ =	sdelay $0x1  }
0x8a: {  	s1 =	srdreg.scid  }
0x8b: {  	s0 =	sand.u32 $0x1, s1  }
0x8c: {  	s17 =	sshll.u32 s0, $0xA;
	s2 =	sadd.s32 s3, s2  }
0x8d: {  	s2 =	sadd.s32 s2, s17  }
0x8e: {  	[smem:$0x3FC6] =	sst s2  }
0x8f: {  	_ = 	snop  }
0x90: {  	s2 =	sld [smem:$0x3FD0];
	(tm) =	ssettm $0x1  }
0x91: {  	s18 =	sld [smem:$0x3FFB];
	_ =	sdelay $0x3  }
0x92: {  	_ =	strace s18  }
0x93: {  	s3 =	sld [smem:$0x3FFC];
	_ =	sdelay $0x3  }
0x94: {  	_ =	strace s3  }
0x95: {  	s3 =	sld [smem:$0x3FFD];
	_ =	sdelay $0x3  }
0x96: {  	_ =	strace s3  }
0x97: {  	_ =	strace $0x8FFFFFFF  }
0x98: {  	s19 =	sld [smem:$0x3FDB];
	_ =	sdelay $0x1  }
0x99: {  	s4 =	simm.s32 $_scs_section_size  }
0x9a: {  	s5 =	simm.s32 $_size__tile_overlayer_lowered;
	s6 =	simm.s32 $_tile_overlayer_lowered  }
0x9b: {  	s22 =	simm.s32 $0x1BFF;
	s21 =	sshll.u32 s6, $0x1;
	s3 =	sadd.s32 s4, s19  }
0x9c: {  	s7 =	simm.s32 $0x0;
	s20 =	sshll.u32 s5, $0x1;
	s5 =	sadd.s32 s21, s3  }
0x9d: {  	[timem:s7], [sflag:s22] =	dma.local [hbm:s5], s20  }
0x9e: {  	_ =	swait.ge [sflag:s22], s20  }
0x9f: {  	s4 =	ssub.s32 $0x0, s20;
	[sflag:s22] =	ssyncset.done $0x0  }
0xa0: {  	[sflag:s22] =	ssyncadd.s32 s4;
	_ =	sdelay $0x1  }
0xa1: {  	s23 =	simm.s32 $0x1B8B  }
0xa2: {  	_ =	swait.ge [sflag:s23], $0x1  }
0xa3: {  	[sflag:s23] =	ssyncset.done $0x0  }
0xa4: {  	s25 =	simm.s32 $0x1B8E;
	s24 =	sld [smem:$0x3FFE];
	[sflag:s23] =	ssyncadd.s32 $0xFFFFFFFF  }
0xa5: {  	s26 =	simm.s32 $execute0_lowered;
	[smem:$0x3FD2] =	sst s25  }
0xa6: {  	s5 =	sshll.u32 s26, $0x1;
	_ =	strace $0x80000046;
	[dreg:$0x1] =	wrdreg $0xFFFFFFFF  }
0xa7: {  	s28 =	simm.s32 $_size_execute0_lowered;
	s3 =	sadd.s32 s3, s5;
	[dreg:$0x0] =	wrdreg $0x0  }
0xa8: {  	s5 =	sshll.u32 s28, $0x1;
	[dreg:$0x2] =	wrdreg s3  }
0xa9: {  	[dreg:$0x3] =	wrdreg s5  }
0xaa: {  	[dreg:$0x4] =	wrdreg $0xC0  }
0xab: {  	_ =	task [dreg:s7], $0x5FFFF  }
0xac: {  	[dreg:$0x1] =	wrdreg $0xFFFFFFFF  }
0xad: {  	[dreg:$0x0] =	wrdreg $0x60  }
0xae: {  	[dreg:$0x2] =	wrdreg s24  }
0xaf: {  	[dreg:$0x3] =	wrdreg s2  }
0xb0: {  	[dreg:$0x4] =	wrdreg $0x9  }
0xb1: {  	_ =	task.clear_ibuf [dreg:s7], $0x5FFFF;
	_ =	strace $0x90000046  }
0xb2: {  	s29 =	simm.s32 $0x9;
	_ =	strace $0x80000048  }
0xb3: {  	_ =	swait.ge [sflag:s29], $0x1  }
0xb4: {  	[sflag:s29] =	ssyncadd.s32 $0xFFFFFFFF  }
0xb5: {  	_ =	strace $0x90000048  }
0xb6: {  	_ =	sfence  }
0xb7: {  	s30 =	sld [smem:$0x0];
	_ =	sdelay $0x2  }
0xb8: {  	s31 =	sshll.u32 s1, $0xD;
	s1 =	sshrl.u32 s1, $0x2  }
0xb9: {  	s3 =	sand.u32 $0x4000, s31;
	s1 =	sadd.s32 s1, s30  }
0xba: {  	s0 =	sor.u32 s3, s0;
	s1 =	sshll.u32 s1, $0x11  }
0xbb: {  	s0 =	sor.u32 s1, s0  }
0xbc: {  	s0 =	sadd.s32 $0x8F2B, s0  }
0xbd: {  	[sflag:s0] =	ssyncadd.remote.s32 $0x1  }
0xbe: {  	_ =	sfence.sel $0xFFFF  }
0xbf: {  	[dreg:$0x0] =	wrdreg $0xFFFFFFFF;
	(pc) =	sbr.abs _section_cstart, $3  }
0xc0: {  	[dreg:$0x1] =	wrdreg $0xFFFFFFFF  }
0xc1: {  	_ =	task.clear_ibuf [dreg:s7], $0x2FFFF;
	_ =	strace $0x9FFFFFFF  }
0xc2: {  	(tm) =	ssettm $0x7FFFFFFF  }
0xc3: {  	_ =	shalt  }
tec
execute0_lowered:
.L_overlay_start_1:
0x0: {  	(tag) =	ssettag $0x1  }
0x1: {  	s0 =	rddreg [dreg:$0x0]  }
0x2: {  	s1 =	srdreg.scid;
	s2 =	stileid.u32  }
0x3: {  	s7 =	rddreg [dreg:$0x1];
	s3 =	simm.s32 $0x0;
	s29 =	simm.s32 $0xE800  }
0x4: {  	s30 =	simm.s32 $0x1;
	s31 =	simm.s32 $0x4;
	s1 =	sand.u32 $0x1, s1  }
0x5: {  	s2 =	sshll.u32 s2, $0x1;
	[smem:$0x7FF] =	sst s3;
	s24 =	sadd.s32 $0x1000, s7  }
0x6: {  	s25 =	sadd.s32 $0x2000, s7;
	s26 =	sadd.s32 $0x3000, s7;
	s28 =	sadd.s32 $0x4000, s7  }
0x7: {  	s11 =	sadd.s32 $0x5000, s7;
	s12 =	sadd.s32 $0x6000, s7;
	s13 =	sadd.s32 $0x7000, s7  }
0x8: {  	s14 =	sadd.s32 $0x8000, s7;
	s15 =	sadd.s32 $0x9000, s7;
	s16 =	sadd.s32 $0xA000, s7  }
0x9: {  	s17 =	sadd.s32 $0xB000, s7;
	_ =	strace $0x80000047;
	[dreg:$0x5] =	wrdreg s24  }
0xa: {  	v3 =	vlaneseq.u32;
	s18 =	sadd.s32 $0xC000, s7;
	s19 =	sadd.s32 $0xD000, s7;
	[dreg:$0x6] =	wrdreg s25  }
0xb: {  	s20 =	sadd.s32 $0xE000, s7;
	v0 =	vmul.u32 $0xC8, v3;
	s2 =	sor.u32 s1, s2;
	[dreg:$0x7] =	wrdreg s26  }
0xc: {  	s1 =	ssub.s32 $0x2, s1;
	[dreg:$0x8] =	wrdreg s28;
	s4 =	smul.u32 $0xC80, s2  }
.Ltmp0:
0xd: {  	v3 =	vmul.u32 $0x40, v3;
	s5 =	sshrl.u32 s1, $0x1;
	s23 =	sshll.u32 s2, $0x7;
	v1 =	vadd.s32 $0xC80, v0;
	v2 =	vadd.s32 $0x1900, v0;
	(pc) =	sbr.rel .LBB2_1-.Ltmp0, $4  }
0xe: {  	s21 =	sadd.s32 $0xF000, s7;
	v4 =	vadd.s32 $0x2580, v0;
	v5 =	vadd.s32 $0x3200, v0;
	v6 =	vadd.s32 $0x3E80, v0;
	s10 =	ssub.s32 s1, s5;
	[dreg:$0x4] =	wrdreg s23  }
0xf: {  	v7 =	vadd.s32 $0x4B00, v0;
	v8 =	vadd.s32 $0x5780, v0;
	v9 =	vor.u32 $0x400, v3;
	s6 =	sadd.s32 s4, s0;
	s4 =	sadd.s32 $0xF42A00, s0;
	s0 =	smax.u32 s10, $0x1  }
0x10: {  	s26 =	simm.s32 $0xC800;
	v10 =	vor.u32 $0x800, v3;
	v11 =	vor.u32 $0xC00, v3;
	v12 =	vor.u32 $0x1000, v3;
	s22 =	sadd.s32 $0x600, s6;
	[dreg:$0x9] =	wrdreg s0  }
0x11: {  	s2 =	simm.s32 $0x2;
	v13 =	vor.u32 $0x1400, v3;
	v14 =	vor.u32 $0x1800, v3;
	v15 =	vor.u32 $0x1C00, v3;
	s1 =	simm.s32 $0x0;
	[dreg:$0x3] =	wrdreg s22  }
.LBB2_14:
0x12: {  	s0 =	simm.s32 $0x3  }
0x13: {  	_ =	swait.ge [sflag:s0], $0x400  }
0x14: {  	[sflag:s0] =	ssyncset.done $0x0  }
0x15: {  	[sflag:s0] =	ssyncadd.s32 $0xFFFFFC00  }
0x16: {  	_ =	swait.ge [sflag:s0], $0x400  }
0x17: {  	[sflag:s0] =	ssyncset.done $0x0  }
0x18: {  	[sflag:s0] =	ssyncadd.s32 $0xFFFFFC00  }
0x19: {  	_ =	swait.ge [sflag:s0], $0x400  }
0x1a: {  	[sflag:s0] =	ssyncset.done $0x0  }
0x1b: {  	[sflag:s0] =	ssyncadd.s32 $0xFFFFFC00  }
0x1c: {  	_ =	swait.ge [sflag:s0], $0x400  }
0x1d: {  	[sflag:s0] =	ssyncset.done $0x0  }
0x1e: {  	[sflag:s0] =	ssyncadd.s32 $0xFFFFFC00  }
0x1f: {  	_ =	swait.ge [sflag:s0], $0x400  }
0x20: {  	[sflag:s0] =	ssyncset.done $0x0  }
0x21: {  	[sflag:s0] =	ssyncadd.s32 $0xFFFFFC00  }
0x22: {  	_ =	swait.ge [sflag:s0], $0x400  }
0x23: {  	[sflag:s0] =	ssyncset.done $0x0  }
0x24: {  	[sflag:s0] =	ssyncadd.s32 $0xFFFFFC00  }
0x25: {  	_ =	swait.ge [sflag:s0], $0x400  }
0x26: {  	[sflag:s0] =	ssyncset.done $0x0  }
0x27: {  	[sflag:s0] =	ssyncadd.s32 $0xFFFFFC00  }
0x28: {  	_ =	swait.ge [sflag:s0], $0x400  }
0x29: {  	[sflag:s0] =	ssyncset.done $0x0  }
0x2a: {  	[sflag:s0] =	ssyncadd.s32 $0xFFFFFC00  }
0x2b: {  	_ =	swait.ge [sflag:s31], $0x400  }
0x2c: {  	[sflag:s31] =	ssyncset.done $0x0  }
0x2d: {  	[sflag:s31] =	ssyncadd.s32 $0xFFFFFC00  }
0x2e: {  	_ =	swait.ge [sflag:s31], $0x400  }
0x2f: {  	[sflag:s31] =	ssyncset.done $0x0  }
0x30: {  	[sflag:s31] =	ssyncadd.s32 $0xFFFFFC00  }
0x31: {  	_ =	swait.ge [sflag:s31], $0x400  }
0x32: {  	[sflag:s31] =	ssyncset.done $0x0  }
0x33: {  	[sflag:s31] =	ssyncadd.s32 $0xFFFFFC00  }
0x34: {  	_ =	swait.ge [sflag:s31], $0x400  }
0x35: {  	[sflag:s31] =	ssyncset.done $0x0  }
0x36: {  	[sflag:s31] =	ssyncadd.s32 $0xFFFFFC00  }
0x37: {  	_ =	swait.ge [sflag:s31], $0x400  }
0x38: {  	[sflag:s31] =	ssyncset.done $0x0  }
0x39: {  	[sflag:s31] =	ssyncadd.s32 $0xFFFFFC00  }
0x3a: {  	_ =	swait.ge [sflag:s31], $0x400  }
0x3b: {  	[sflag:s31] =	ssyncset.done $0x0  }
0x3c: {  	[sflag:s31] =	ssyncadd.s32 $0xFFFFFC00  }
0x3d: {  	_ =	swait.ge [sflag:s31], $0x400  }
0x3e: {  	[sflag:s31] =	ssyncset.done $0x0  }
0x3f: {  	[sflag:s31] =	ssyncadd.s32 $0xFFFFFC00  }
0x40: {  	_ =	swait.ge [sflag:s31], $0x400  }
0x41: {  	s1 =	rddreg [dreg:$0xa]  }
0x42: {  	s28 =	rddreg [dreg:$0x9];
	s1 =	sadd.s32 $0x1, s1  }
0x43: {  	p0 =	sne.s32 s1, s28  }
.Ltmp1:
0x44: {  	_ = 	snop;
	(pc) =	sbr.rel @!p0 .LBB2_15-.Ltmp1, $3  }
0x45: {  	_ =	sdelay $0x1  }
0x46: {  	[sflag:s31] =	ssyncset.done $0x0  }
0x47: {  	[sflag:s31] =	ssyncadd.s32 $0xFFFFFC00  }
.LBB2_1:
0x48: {  	v16 =	vmov s3  }
0x49: {  	[dreg:$0xa] =	wrdreg s1;
	v16 =	vand.u32 $0xFF, v16  }
0x4a: {  	s0 =	rddreg [dreg:$0x3];
	s24 =	simm.s32 $0x5;
	v17 =	vadd.s32 v0, v16  }
0x4b: {  	[tilespmem:s3], [sflag:$0x5] =	stream.linear.gather [hbm4b:s0+s3], $0x6400, $0x38;
	v18 =	vadd.s32 v8, v16;
	[tilespmem:$0x14800] =	vst v63  }
0x4c: {  	_ =	swait.ge [sflag:s24], $0x6400;
	v19 =	vadd.s32 v1, v16  }
0x4d: {  	v20 =	vadd.s32 v2, v16;
	[sflag:s24] =	ssyncset.done $0x0  }
0x4e: {  	v21 =	vadd.s32 v4, v16;
	[sflag:s24] =	ssyncadd.s32 $0xFFFF9C00  }
0x4f: {  	s25 =	simm.s32 $0x1;
	v22 =	vadd.s32 v5, v16;
	v17 =	vld.idx.msk [tilespmem:v17+s3+$0x0], $0xffff  }
0x50: {  	v23 =	vadd.s32 v6, v16;
	v16 =	vadd.s32 v7, v16;
	v24 =	vld.idx.msk [tilespmem:v18+s3+$0x0], $0xffff;
	v18 =	vmov s25  }
0x51: {  	v27 =	vld.idx.msk [tilespmem:v19+s3+$0x0], $0xffff;
	v28 =	vand.u32 $0xFF, v18  }
0x52: {  	v29 =	vld.idx.msk [tilespmem:v20+s3+$0x0], $0xffff;
	v26 =	vadd.s32 v0, v28  }
0x53: {  	v21 =	vld.idx.msk [tilespmem:v21+s3+$0x0], $0xffff  }
0x54: {  	v20 =	vld.idx.msk [tilespmem:v22+s3+$0x0], $0xffff;
	v30 =	vadd.s32 v8, v28  }
0x55: {  	v19 =	vld.idx.msk [tilespmem:v16+s3+$0x0], $0xffff;
	v22 =	vadd.s32 v1, v28  }
0x56: {  	s0 =	simm.s32 $0x6440;
	v18 =	vld.idx.msk [tilespmem:v23+s3+$0x0], $0xffff;
	v25 =	vadd.s32 v2, v28  }
0x57: {  	[tilespmem:s0+$0x30] =	vst v24;
	v16 =	vld.idx.msk [tilespmem:v26+s3+$0x0], $0xffff;
	v26 =	vadd.s32 v4, v28  }
0x58: {  	s28 =	simm.s32 $0x2;
	[tilespmem:s0+$0xFFFFFFC0] =	vst v17;
	v24 =	vadd.s32 v5, v28  }
0x59: {  	v17 =	vmov s28;
	[tilespmem:s0+$0xFFFFFFD0] =	vst v27;
	v27 =	vadd.s32 v6, v28;
	v23 =	vld.idx.msk [tilespmem:v30+s3+$0x0], $0xffff  }
0x5a: {  	s1 =	simm.s32 $0x3;
	[tilespmem:s0+$0xFFFFFFE0] =	vst v29;
	v17 =	vand.u32 $0xFF, v17;
	v22 =	vld.idx.msk [tilespmem:v22+s3+$0x0], $0xffff;
	v28 =	vadd.s32 v7, v28  }
.LBB2_2:
0x5b: {  	p0 =	sne.s32 s1, $0xC7;
	v29 =	vadd.s32 v0, v17;
	v30 =	vld.idx.msk [tilespmem:v25+s3+$0x0], $0xffff;
	[tilespmem:s0+$0xFFFFFFF0] =	vst v21  }
0x5c: {  	v31 =	vadd.s32 v8, v17;
	v21 =	vld.idx.msk [tilespmem:v26+s3+$0x0], $0xffff;
	[tilespmem:s0+$0x0] =	vst v20  }
0x5d: {  	v32 =	vadd.s32 v1, v17;
	v20 =	vld.idx.msk [tilespmem:v24+s3+$0x0], $0xffff;
	[tilespmem:s0+$0x10] =	vst v18  }
.Ltmp2:
0x5e: {  	v25 =	vadd.s32 v2, v17;
	v18 =	vld.idx.msk [tilespmem:v27+s3+$0x0], $0xffff;
	[tilespmem:s0+$0x20] =	vst v19;
	s0 =	sadd.s32 $0x80, s0;
	(pc) =	sbr.rel @p0 .LBB2_2-.Ltmp2, $4  }
0x5f: {  	v26 =	vadd.s32 v4, v17;
	v19 =	vld.idx.msk [tilespmem:v28+s3+$0x0], $0xffff;
	[tilespmem:s0+$0x30] =	vst v23  }
0x60: {  	v24 =	vadd.s32 v5, v17;
	[tilespmem:s0+$0xFFFFFFC0] =	vst v16;
	v16 =	vld.idx.msk [tilespmem:v29+s3+$0x0], $0xffff  }
0x61: {  	v27 =	vadd.s32 v6, v17;
	v29 =	vmov s1;
	v23 =	vld.idx.msk [tilespmem:v31+s3+$0x0], $0xffff;
	[tilespmem:s0+$0xFFFFFFD0] =	vst v22  }
0x62: {  	v28 =	vadd.s32 v7, v17;
	s1 =	sadd.s32 $0x1, s1;
	v17 =	vand.u32 $0xFF, v29;
	v22 =	vld.idx.msk [tilespmem:v32+s3+$0x0], $0xffff;
	[tilespmem:s0+$0xFFFFFFE0] =	vst v30  }
0x63: {  	_ =	sdelay $0x3  }
0x64: {  	v29 =	vadd.s32 v0, v17;
	v25 =	vld.idx.msk [tilespmem:v25+s3+$0x0], $0xffff;
	[tilespmem:s0+$0xFFFFFFF0] =	vst v21  }
0x65: {  	v57 =	vadd.s32 v8, v17;
	v26 =	vld.idx.msk [tilespmem:v26+s3+$0x0], $0xffff;
	[tilespmem:s0+$0x0] =	vst v20  }
0x66: {  	v58 =	vadd.s32 v1, v17;
	v24 =	vld.idx.msk [tilespmem:v24+s3+$0x0], $0xffff;
	[tilespmem:s0+$0x10] =	vst v18  }
0x67: {  	v59 =	vadd.s32 v2, v17;
	v27 =	vld.idx.msk [tilespmem:v27+s3+$0x0], $0xffff;
	s24 =	sadd.s32 $0x80, s0;
	[tilespmem:s0+$0x20] =	vst v19  }
0x68: {  	v60 =	vadd.s32 v4, v17;
	v28 =	vld.idx.msk [tilespmem:v28+s3+$0x0], $0xffff;
	[tilespmem:s24+$0xFFFFFFC0] =	vst v16  }
0x69: {  	v62 =	vadd.s32 v5, v17;
	[tilespmem:s24+$0x30] =	vst v23;
	v61 =	vld.idx.msk [tilespmem:v29+s3+$0x0], $0xffff  }
0x6a: {  	v16 =	vadd.s32 v6, v17;
	[tilespmem:s24+$0xFFFFFFD0] =	vst v22;
	v21 =	vld.idx.msk [tilespmem:v57+s3+$0x0], $0xffff  }
0x6b: {  	v17 =	vadd.s32 v7, v17;
	v20 =	vld.idx.msk [tilespmem:v58+s3+$0x0], $0xffff;
	[tilespmem:s24+$0xFFFFFFE0] =	vst v25  }
0x6c: {  	v18 =	vld.idx.msk [tilespmem:v59+s3+$0x0], $0xffff;
	[tilespmem:s24+$0xFFFFFFF0] =	vst v26  }
0x6d: {  	v19 =	vld.idx.msk [tilespmem:v60+s3+$0x0], $0xffff;
	[tilespmem:s24+$0x0] =	vst v24  }
0x6e: {  	v63 =	vld.idx.msk [tilespmem:v62+s3+$0x0], $0xffff;
	[tilespmem:s24+$0x10] =	vst v27  }
0x6f: {  	s0 =	sadd.s32 $0x80, s24;
	[tilespmem:s24+$0x20] =	vst v28;
	v16 =	vld.idx.msk [tilespmem:v16+s3+$0x0], $0xffff  }
0x70: {  	v17 =	vld.idx.msk [tilespmem:v17+s3+$0x0], $0xffff;
	[tilespmem:s0+$0x30] =	vst v21  }
0x71: {  	[tilespmem:s0+$0xFFFFFFC0] =	vst v61  }
0x72: {  	[tilespmem:s0+$0xFFFFFFD0] =	vst v20  }
0x73: {  	[tilespmem:s0+$0xFFFFFFE0] =	vst v18  }
0x74: {  	[tilespmem:s0+$0xFFFFFFF0] =	vst v19  }
0x75: {  	[tilespmem:s0+$0x0] =	vst v63  }
0x76: {  	[tilespmem:s0+$0x10] =	vst v16  }
0x77: {  	s25 =	simm.s32 $0x80;
	s1 =	simm.s32 $0x6400;
	[tilespmem:s0+$0x20] =	vst v17  }
0x78: {  	[tilespmem:s26], [sflag:$0x1] =	stream.indirect.gather [hbm4b:s4+s25], $0x40, s1, s25, $0xb8;
	[tilespmem:$0x14800] =	vst v63  }
0x79: {  	s28 =	simm.s32 $0x6480  }
0x7a: {  	[tilespmem:s29], [sflag:$0x2] =	stream.indirect.gather [hbm4b:s4+s25], $0x40, s28, s25, $0xb8;
	[tilespmem:$0x14800] =	vst v63  }
0x7b: {  	s25 =	simm.s32 $0x0  }
.LBB2_4:
0x7c: {  	_ =	swait.ge [sflag:s30], $0x2000  }
0x7d: {  	p0 =	seq.s32 s25, $0x0;
	[sflag:s30] =	ssyncset.done $0x0  }
0x7e: {  	s0 =	simm.s32 @!p0 $0x3;
	[sflag:s30] =	ssyncadd.s32 $0xFFFFE000  }
0x7f: {  	_ =	swait.ge @!p0 [sflag:s0], $0x400  }
0x80: {  	[sflag:s0] =	ssyncset.done @!p0 $0x0  }
0x81: {  	[sflag:s0] =	ssyncadd.s32 @!p0 $0xFFFFFC00  }
0x82: {  	_ =	swait.ge @!p0 [sflag:s0], $0x400  }
0x83: {  	[sflag:s0] =	ssyncset.done @!p0 $0x0  }
0x84: {  	[sflag:s0] =	ssyncadd.s32 @!p0 $0xFFFFFC00  }
0x85: {  	_ =	swait.ge @!p0 [sflag:s0], $0x400  }
0x86: {  	[sflag:s0] =	ssyncset.done @!p0 $0x0  }
0x87: {  	[sflag:s0] =	ssyncadd.s32 @!p0 $0xFFFFFC00  }
0x88: {  	_ =	swait.ge @!p0 [sflag:s0], $0x400  }
0x89: {  	[sflag:s0] =	ssyncset.done @!p0 $0x0  }
0x8a: {  	[sflag:s0] =	ssyncadd.s32 @!p0 $0xFFFFFC00  }
0x8b: {  	_ =	swait.ge @!p0 [sflag:s0], $0x400  }
0x8c: {  	[sflag:s0] =	ssyncset.done @!p0 $0x0  }
0x8d: {  	s1 =	simm.s32 $0x0;
	[sflag:s0] =	ssyncadd.s32 @!p0 $0xFFFFFC00  }
0x8e: {  	v16 =	vmov s1;
	_ =	swait.ge @!p0 [sflag:s0], $0x400  }
0x8f: {  	v16 =	vand.u32 $0x3F, v16;
	[sflag:s0] =	ssyncset.done @!p0 $0x0  }
0x90: {  	v23 =	vbroadcast v16, $0x0;
	[sflag:s0] =	ssyncadd.s32 @!p0 $0xFFFFFC00  }
0x91: {  	_ =	swait.ge @!p0 [sflag:s0], $0x400  }
0x92: {  	v16 =	vor.u32 v3, v23;
	[sflag:s0] =	ssyncset.done @!p0 $0x0  }
0x93: {  	[sflag:s0] =	ssyncadd.s32 @!p0 $0xFFFFFC00  }
0x94: {  	s24 =	simm.s32 $0x1;
	_ =	swait.ge @!p0 [sflag:s0], $0x400  }
0x95: {  	v17 =	vmov s24;
	[sflag:s0] =	ssyncset.done @!p0 $0x0  }
0x96: {  	v17 =	vand.u32 $0x3F, v17;
	[sflag:s0] =	ssyncadd.s32 @!p0 $0xFFFFFC00  }
0x97: {  	v21 =	vbroadcast v17, $0x0;
	v16 =	vld.idx.msk [tilespmem:v16+s26+$0x0], $0xffff;
	_ =	sdelay $0x1  }
0x98: {  	v17 =	vor.u32 v3, v21  }
0x99: {  	v18 =	vor.u32 v9, v23  }
0x9a: {  	s1 =	simm.s32 $0x2  }
0x9b: {  	v19 =	vmov s1;
	v16 =	vmul.f32 $8.000000000e+00, v16  }
0x9c: {  	s24 =	simm.s32 $0x10840;
	v19 =	vand.u32 $0x3F, v19  }
0x9d: {  	v17 =	vld.idx.msk [tilespmem:v17+s26+$0x0], $0xffff;
	[tilespmem:s24+$0xFFFFFFC0] =	vst v16;
	v16 =	vbroadcast v19, $0x0  }
0x9e: {  	v18 =	vld.idx.msk [tilespmem:v18+s26+$0x0], $0xffff  }
0x9f: {  	v19 =	vor.u32 v3, v16  }
0xa0: {  	v20 =	vor.u32 v9, v21  }
0xa1: {  	s5 =	simm.s32 $0x3;
	v22 =	vor.u32 v10, v23  }
0xa2: {  	v24 =	vmov s5;
	v17 =	vmul.f32 $8.000000000e+00, v17  }
0xa3: {  	v24 =	vand.u32 $0x3F, v24;
	s0 =	simm.s32 $0x108C0;
	v18 =	vmul.f32 $8.000000000e+00, v18  }
0xa4: {  	[tilespmem:s0+$0xFFFFFFC0] =	vst v17;
	v17 =	vbroadcast v24, $0x0;
	v19 =	vld.idx.msk [tilespmem:v19+s26+$0x0], $0xffff  }
0xa5: {  	v20 =	vld.idx.msk [tilespmem:v20+s26+$0x0], $0xffff;
	[tilespmem:s24+$0xFFFFFFD0] =	vst v18  }
0xa6: {  	v18 =	vld.idx.msk [tilespmem:v22+s26+$0x0], $0xffff;
	v22 =	vor.u32 v3, v17  }
0xa7: {  	v24 =	vor.u32 v9, v16  }
0xa8: {  	s6 =	simm.s32 $0x4;
	v25 =	vor.u32 v10, v21  }
0xa9: {  	v27 =	vmov s6;
	v26 =	vor.u32 v11, v23;
	v19 =	vmul.f32 $8.000000000e+00, v19  }
0xaa: {  	s5 =	simm.s32 $0x10940;
	v27 =	vand.u32 $0x3F, v27;
	v20 =	vmul.f32 $8.000000000e+00, v20  }
0xab: {  	v22 =	vld.idx.msk [tilespmem:v22+s26+$0x0], $0xffff;
	[tilespmem:s5+$0xFFFFFFC0] =	vst v19;
	v19 =	vmul.f32 $8.000000000e+00, v18;
	v18 =	vbroadcast v27, $0x0  }
0xac: {  	[tilespmem:s0+$0xFFFFFFD0] =	vst v20;
	v24 =	vld.idx.msk [tilespmem:v24+s26+$0x0], $0xffff  }
0xad: {  	v20 =	vld.idx.msk [tilespmem:v25+s26+$0x0], $0xffff;
	[tilespmem:s24+$0xFFFFFFE0] =	vst v19;
	v19 =	vor.u32 v3, v18  }
0xae: {  	v25 =	vld.idx.msk [tilespmem:v26+s26+$0x0], $0xffff;
	v26 =	vor.u32 v9, v17  }
0xaf: {  	s7 =	simm.s32 $0x5;
	v27 =	vor.u32 v10, v16  }
0xb0: {  	v29 =	vmov s7;
	v28 =	vor.u32 v11, v21;
	v22 =	vmul.f32 $8.000000000e+00, v22  }
0xb1: {  	s22 =	simm.s32 $0x109C0;
	v29 =	vand.u32 $0x3F, v29;
	v30 =	vor.u32 v12, v23;
	v24 =	vmul.f32 $8.000000000e+00, v24  }
0xb2: {  	v20 =	vmul.f32 $8.000000000e+00, v20;
	v31 =	vld.idx.msk [tilespmem:v19+s26+$0x0], $0xffff;
	[tilespmem:s22+$0xFFFFFFC0] =	vst v22;
	v19 =	vbroadcast v29, $0x0  }
0xb3: {  	v22 =	vld.idx.msk [tilespmem:v26+s26+$0x0], $0xffff;
	[tilespmem:s5+$0xFFFFFFD0] =	vst v24;
	v24 =	vmul.f32 $8.000000000e+00, v25  }
0xb4: {  	[tilespmem:s0+$0xFFFFFFE0] =	vst v20;
	v25 =	vld.idx.msk [tilespmem:v27+s26+$0x0], $0xffff;
	v20 =	vor.u32 v3, v19  }
0xb5: {  	v26 =	vld.idx.msk [tilespmem:v28+s26+$0x0], $0xffff;
	[tilespmem:s24+$0xFFFFFFF0] =	vst v24;
	v24 =	vor.u32 v9, v18  }
0xb6: {  	s8 =	simm.s32 $0x6;
	v28 =	vor.u32 v10, v17;
	v27 =	vld.idx.msk [tilespmem:v30+s26+$0x0], $0xffff  }
0xb7: {  	v30 =	vor.u32 v11, v16;
	v29 =	vmul.f32 $8.000000000e+00, v31;
	v31 =	vmov s8  }
0xb8: {  	s23 =	simm.s32 $0x10A40;
	v32 =	vor.u32 v12, v21;
	v22 =	vmul.f32 $8.000000000e+00, v22;
	v31 =	vand.u32 $0x3F, v31  }
0xb9: {  	v33 =	vld.idx.msk [tilespmem:v20+s26+$0x0], $0xffff;
	[tilespmem:s23+$0xFFFFFFC0] =	vst v29;
	v25 =	vmul.f32 $8.000000000e+00, v25;
	v29 =	vor.u32 v13, v23;
	v20 =	vbroadcast v31, $0x0  }
0xba: {  	v24 =	vld.idx.msk [tilespmem:v24+s26+$0x0], $0xffff;
	[tilespmem:s22+$0xFFFFFFD0] =	vst v22;
	v22 =	vmul.f32 $8.000000000e+00, v26  }
0xbb: {  	v26 =	vld.idx.msk [tilespmem:v28+s26+$0x0], $0xffff;
	[tilespmem:s5+$0xFFFFFFE0] =	vst v25;
	v25 =	vmul.f32 $8.000000000e+00, v27;
	v27 =	vor.u32 v3, v20  }
0xbc: {  	v28 =	vld.idx.msk [tilespmem:v30+s26+$0x0], $0xffff;
	[tilespmem:s0+$0xFFFFFFF0] =	vst v22;
	v30 =	vor.u32 v9, v19  }
0xbd: {  	s9 =	simm.s32 $0x7;
	v31 =	vld.idx.msk [tilespmem:v32+s26+$0x0], $0xffff;
	[tilespmem:s24+$0x0] =	vst v25;
	v25 =	vor.u32 v10, v18  }
0xbe: {  	v58 =	vmov s9;
	v57 =	vor.u32 v11, v17;
	v29 =	vld.idx.msk [tilespmem:v29+s26+$0x0], $0xffff;
	v22 =	vmul.f32 $8.000000000e+00, v33  }
0xbf: {  	s1 =	simm.s32 $0x10AC0;
	v34 =	vor.u32 v12, v16;
	v33 =	vand.u32 $0x3F, v58;
	v24 =	vmul.f32 $8.000000000e+00, v24  }
0xc0: {  	v35 =	vor.u32 v13, v21;
	v27 =	vld.idx.msk [tilespmem:v27+s26+$0x0], $0xffff;
	[tilespmem:s1+$0xFFFFFFC0] =	vst v22;
	v26 =	vmul.f32 $8.000000000e+00, v26;
	v22 =	vbroadcast v33, $0x0  }
0xc1: {  	v30 =	vld.idx.msk [tilespmem:v30+s26+$0x0], $0xffff;
	[tilespmem:s23+$0xFFFFFFD0] =	vst v24;
	v24 =	vmul.f32 $8.000000000e+00, v28;
	v28 =	vor.u32 v14, v23  }
0xc2: {  	v25 =	vld.idx.msk [tilespmem:v25+s26+$0x0], $0xffff;
	[tilespmem:s22+$0xFFFFFFE0] =	vst v26;
	v26 =	vmul.f32 $8.000000000e+00, v31;
	v31 =	vor.u32 v3, v22  }
0xc3: {  	v32 =	vld.idx.msk [tilespmem:v57+s26+$0x0], $0xffff;
	[tilespmem:s5+$0xFFFFFFF0] =	vst v24;
	v24 =	vmul.f32 $8.000000000e+00, v29;
	v29 =	vor.u32 v9, v20  }
0xc4: {  	s7 =	simm.s32 $0x8;
	v59 =	vld.idx.msk [tilespmem:v34+s26+$0x0], $0xffff;
	[tilespmem:s0+$0x0] =	vst v26;
	v26 =	vor.u32 v10, v19  }
0xc5: {  	v36 =	vmov s7;
	v60 =	vld.idx.msk [tilespmem:v35+s26+$0x0], $0xffff;
	[tilespmem:s24+$0x10] =	vst v24;
	v24 =	vmul.f32 $8.000000000e+00, v27;
	v27 =	vor.u32 v11, v18  }
0xc6: {  	s6 =	simm.s32 $0x10B40;
	v36 =	vand.u32 $0x3F, v36;
	v61 =	vld.idx.msk [tilespmem:v28+s26+$0x0], $0xffff;
	v28 =	vmul.f32 $8.000000000e+00, v30;
	v30 =	vor.u32 v12, v17  }
0xc7: {  	v38 =	vor.u32 v14, v21;
	v31 =	vld.idx.msk [tilespmem:v31+s26+$0x0], $0xffff;
	[tilespmem:s6+$0xFFFFFFC0] =	vst v24;
	v24 =	vmul.f32 $8.000000000e+00, v25;
	v25 =	vor.u32 v13, v16  }
0xc8: {  	v39 =	vor.u32 v15, v23;
	v23 =	vbroadcast v36, $0x0;
	v29 =	vld.idx.msk [tilespmem:v29+s26+$0x0], $0xffff;
	[tilespmem:s1+$0xFFFFFFD0] =	vst v28;
	v32 =	vmul.f32 $8.000000000e+00, v32  }
0xc9: {  	v28 =	vld.idx.msk [tilespmem:v26+s26+$0x0], $0xffff;
	[tilespmem:s23+$0xFFFFFFE0] =	vst v24;
	v24 =	vmul.f32 $8.000000000e+00, v59  }
0xca: {  	v35 =	vor.u32 v3, v23;
	v27 =	vld.idx.msk [tilespmem:v27+s26+$0x0], $0xffff;
	[tilespmem:s22+$0xFFFFFFF0] =	vst v32;
	v62 =	vmul.f32 $8.000000000e+00, v60  }
0xcb: {  	v34 =	vor.u32 v9, v22;
	v26 =	vld.idx.msk [tilespmem:v30+s26+$0x0], $0xffff;
	[tilespmem:s5+$0x0] =	vst v24;
	v63 =	vmul.f32 $8.000000000e+00, v61  }
0xcc: {  	v33 =	vor.u32 v10, v20;
	v24 =	vld.idx.msk [tilespmem:v25+s26+$0x0], $0xffff;
	[tilespmem:s0+$0x10] =	vst v62  }
0xcd: {  	s10 =	simm.s32 $0x9;
	v32 =	vor.u32 v11, v19;
	v37 =	vmul.f32 $8.000000000e+00, v31;
	v30 =	vld.idx.msk [tilespmem:v38+s26+$0x0], $0xffff;
	[tilespmem:s24+$0x20] =	vst v63  }
0xce: {  	s28 =	sshll.u32 s25, $0xA;
	s7 =	simm.s32 $0x10BC0;
	s8 =	simm.s32 $0xA;
	v25 =	vmov s10;
	v36 =	vmul.f32 $8.000000000e+00, v29;
	v29 =	vor.u32 v12, v18;
	v31 =	vld.idx.msk [tilespmem:v39+s26+$0x0], $0xffff  }
.LBB2_5:
0xcf: {  	p1 =	sne.s32 s8, $0x3F;
	v25 =	vand.u32 $0x3F, v25;
	v38 =	vld.idx.msk [tilespmem:v35+s26+$0x0], $0xffff;
	[tilespmem:s7+$0xFFFFFFC0] =	vst v37;
	v35 =	vmul.f32 $8.000000000e+00, v28;
	v37 =	vor.u32 v13, v17;
	s9 =	smov.u32 s0;
	s0 =	smov.u32 s5  }
0xd0: {  	s5 =	smov.u32 s22;
	s22 =	smov.u32 s23;
	s23 =	smov.u32 s1;
	v25 =	vbroadcast v25, $0x0;
	v39 =	vld.idx.msk [tilespmem:v34+s26+$0x0], $0xffff;
	[tilespmem:s6+$0xFFFFFFD0] =	vst v36;
	v34 =	vmul.f32 $8.000000000e+00, v27;
	v36 =	vor.u32 v14, v16  }
0xd1: {  	v40 =	vor.u32 v15, v21;
	v21 =	vmovc v16;
	s1 =	smov.u32 s6;
	v16 =	vmov v17;
	s6 =	smov.u32 s7;
	v28 =	vld.idx.msk [tilespmem:v33+s26+$0x0], $0xffff;
	[tilespmem:s23+$0xFFFFFFE0] =	vst v35;
	v33 =	vmul.f32 $8.000000000e+00, v26  }
.Ltmp3:
0xd2: {  	v17 =	vmovc v18;
	v18 =	vmov v19;
	v35 =	vor.u32 v3, v25;
	v27 =	vld.idx.msk [tilespmem:v32+s26+$0x0], $0xffff;
	[tilespmem:s22+$0xFFFFFFF0] =	vst v34;
	v32 =	vmul.f32 $8.000000000e+00, v24;
	(pc) =	sbr.rel @p1 .LBB2_5-.Ltmp3, $4  }
0xd3: {  	v19 =	vmovc v20;
	v20 =	vmov v22;
	v34 =	vor.u32 v9, v23;
	v26 =	vld.idx.msk [tilespmem:v29+s26+$0x0], $0xffff;
	[tilespmem:s5+$0x0] =	vst v33;
	v29 =	vmul.f32 $8.000000000e+00, v30  }
0xd4: {  	v22 =	vmovc v23;
	v23 =	vmov v25;
	v33 =	vor.u32 v10, v20;
	v41 =	vmul.f32 $8.000000000e+00, v31;
	v24 =	vld.idx.msk [tilespmem:v37+s26+$0x0], $0xffff;
	[tilespmem:s0+$0x10] =	vst v32  }
0xd5: {  	v37 =	vmul.f32 $8.000000000e+00, v38;
	v32 =	vor.u32 v11, v19;
	v30 =	vld.idx.msk [tilespmem:v36+s26+$0x0], $0xffff;
	[tilespmem:s9+$0x20] =	vst v29  }
0xd6: {  	s7 =	sadd.s32 $0x80, s7;
	v25 =	vmov s8;
	s8 =	sadd.s32 $0x1, s8;
	v36 =	vmul.f32 $8.000000000e+00, v39;
	v29 =	vor.u32 v12, v18;
	v31 =	vld.idx.msk [tilespmem:v40+s26+$0x0], $0xffff;
	[tilespmem:s24+$0x30] =	vst v41;
	s24 =	smov.u32 s9  }
0xd7: {  	v25 =	vand.u32 $0x3F, v25  }
0xd8: {  	v25 =	vbroadcast v25, $0x0;
	_ =	sdelay $0x1  }
0xd9: {  	v38 =	vor.u32 v3, v25;
	_ =	sdelay $0x1  }
0xda: {  	v35 =	vld.idx.msk [tilespmem:v35+s26+$0x0], $0xffff;
	_ =	sdelay $0x2  }
0xdb: {  	v39 =	vor.u32 v9, v23;
	v38 =	vld.idx.msk [tilespmem:v38+s26+$0x0], $0xffff;
	_ =	sdelay $0x1  }
0xdc: {  	v35 =	vmul.f32 $8.000000000e+00, v35  }
0xdd: {  	[tilespmem:s7+$0xFFFFFFC0] =	vst v37;
	s8 =	sadd.s32 $0x80, s7;
	v40 =	vor.u32 v9, v25  }
0xde: {  	v34 =	vld.idx.msk [tilespmem:v34+s26+$0x0], $0xffff;
	[tilespmem:s8+$0xFFFFFFC0] =	vst v35  }
0xdf: {  	v35 =	vld.idx.msk [tilespmem:v39+s26+$0x0], $0xffff;
	v43 =	vmul.f32 $8.000000000e+00, v38  }
0xe0: {  	s9 =	sadd.s32 $0x80, s8  }
0xe1: {  	v44 =	vor.u32 v10, v22;
	[tilespmem:s9+$0xFFFFFFC0] =	vst v43  }
0xe2: {  	v45 =	vor.u32 v10, v23;
	v37 =	vld.idx.msk [tilespmem:v40+s26+$0x0], $0xffff  }
0xe3: {  	v34 =	vmul.f32 $8.000000000e+00, v34  }
0xe4: {  	[tilespmem:s6+$0xFFFFFFD0] =	vst v36;
	v35 =	vmul.f32 $8.000000000e+00, v35  }
0xe5: {  	v33 =	vld.idx.msk [tilespmem:v33+s26+$0x0], $0xffff;
	v46 =	vor.u32 v10, v25;
	[tilespmem:s7+$0xFFFFFFD0] =	vst v34  }
0xe6: {  	v48 =	vld.idx.msk [tilespmem:v44+s26+$0x0], $0xffff;
	[tilespmem:s8+$0xFFFFFFD0] =	vst v35  }
0xe7: {  	v35 =	vld.idx.msk [tilespmem:v45+s26+$0x0], $0xffff;
	v47 =	vmul.f32 $8.000000000e+00, v37  }
0xe8: {  	v49 =	vor.u32 v11, v20  }
0xe9: {  	v28 =	vmul.f32 $8.000000000e+00, v28;
	v51 =	vor.u32 v11, v22;
	[tilespmem:s9+$0xFFFFFFD0] =	vst v47  }
0xea: {  	v52 =	vor.u32 v11, v23;
	v33 =	vmul.f32 $8.000000000e+00, v33;
	v50 =	vld.idx.msk [tilespmem:v46+s26+$0x0], $0xffff  }
0xeb: {  	[tilespmem:s1+$0xFFFFFFE0] =	vst v28;
	v53 =	vmul.f32 $8.000000000e+00, v48  }
0xec: {  	v32 =	vld.idx.msk [tilespmem:v32+s26+$0x0], $0xffff;
	[tilespmem:s6+$0xFFFFFFE0] =	vst v33;
	v55 =	vmul.f32 $8.000000000e+00, v35  }
0xed: {  	v27 =	vmul.f32 $8.000000000e+00, v27;
	v54 =	vor.u32 v11, v25;
	v56 =	vld.idx.msk [tilespmem:v49+s26+$0x0], $0xffff;
	[tilespmem:s7+$0xFFFFFFE0] =	vst v53  }
0xee: {  	v26 =	vmul.f32 $8.000000000e+00, v26;
	v58 =	vld.idx.msk [tilespmem:v51+s26+$0x0], $0xffff;
	[tilespmem:s8+$0xFFFFFFE0] =	vst v55  }
0xef: {  	v59 =	vor.u32 v12, v19;
	[tilespmem:s23+$0xFFFFFFF0] =	vst v27;
	v60 =	vld.idx.msk [tilespmem:v52+s26+$0x0], $0xffff;
	v57 =	vmul.f32 $8.000000000e+00, v50  }
0xf0: {  	v61 =	vor.u32 v12, v20;
	v30 =	vmul.f32 $8.000000000e+00, v30;
	[tilespmem:s22+$0x0] =	vst v26  }
0xf1: {  	v63 =	vor.u32 v12, v22;
	v62 =	vmul.f32 $8.000000000e+00, v32;
	[tilespmem:s9+$0xFFFFFFE0] =	vst v57  }
0xf2: {  	[tilespmem:s0+$0x20] =	vst v30;
	v39 =	vmul.f32 $8.000000000e+00, v56;
	v40 =	vor.u32 v12, v23;
	v34 =	vld.idx.msk [tilespmem:v54+s26+$0x0], $0xffff  }
0xf3: {  	v21 =	vor.u32 v15, v21;
	v29 =	vld.idx.msk [tilespmem:v29+s26+$0x0], $0xffff;
	[tilespmem:s1+$0xFFFFFFF0] =	vst v62;
	v41 =	vmul.f32 $8.000000000e+00, v58  }
0xf4: {  	v44 =	vor.u32 v13, v17;
	v33 =	vld.idx.msk [tilespmem:v59+s26+$0x0], $0xffff;
	[tilespmem:s6+$0xFFFFFFF0] =	vst v39;
	v43 =	vmul.f32 $8.000000000e+00, v60  }
0xf5: {  	v24 =	vmul.f32 $8.000000000e+00, v24;
	v42 =	vor.u32 v12, v25;
	v30 =	vld.idx.msk [tilespmem:v61+s26+$0x0], $0xffff;
	[tilespmem:s7+$0xFFFFFFF0] =	vst v41  }
0xf6: {  	v31 =	vmul.f32 $8.000000000e+00, v31;
	v46 =	vor.u32 v13, v18;
	v32 =	vld.idx.msk [tilespmem:v63+s26+$0x0], $0xffff;
	[tilespmem:s8+$0xFFFFFFF0] =	vst v43  }
0xf7: {  	[tilespmem:s5+$0x10] =	vst v24;
	v47 =	vor.u32 v13, v19;
	v28 =	vld.idx.msk [tilespmem:v40+s26+$0x0], $0xffff;
	v45 =	vmul.f32 $8.000000000e+00, v34  }
0xf8: {  	[tilespmem:s24+$0x30] =	vst v31;
	v21 =	vld.idx.msk [tilespmem:v21+s26+$0x0], $0xffff;
	v49 =	vor.u32 v13, v20;
	v48 =	vmul.f32 $8.000000000e+00, v29  }
0xf9: {  	v51 =	vor.u32 v13, v22;
	v52 =	vld.idx.msk [tilespmem:v44+s26+$0x0], $0xffff;
	v50 =	vmul.f32 $8.000000000e+00, v33;
	[tilespmem:s9+$0xFFFFFFF0] =	vst v45  }
0xfa: {  	[tilespmem:s23+$0x0] =	vst v48;
	v53 =	vmul.f32 $8.000000000e+00, v30;
	v54 =	vor.u32 v13, v23;
	v31 =	vld.idx.msk [tilespmem:v42+s26+$0x0], $0xffff  }
0xfb: {  	v55 =	vmul.f32 $8.000000000e+00, v32;
	[tilespmem:s1+$0x0] =	vst v50;
	v57 =	vor.u32 v14, v16;
	v34 =	vld.idx.msk [tilespmem:v46+s26+$0x0], $0xffff  }
0xfc: {  	v59 =	vor.u32 v14, v17;
	[tilespmem:s6+$0x0] =	vst v53;
	v27 =	vld.idx.msk [tilespmem:v47+s26+$0x0], $0xffff;
	v58 =	vmul.f32 $8.000000000e+00, v28  }
0xfd: {  	v21 =	vmul.f32 $8.000000000e+00, v21;
	v56 =	vor.u32 v13, v25;
	v29 =	vld.idx.msk [tilespmem:v49+s26+$0x0], $0xffff;
	[tilespmem:s7+$0x0] =	vst v55  }
0xfe: {  	v61 =	vor.u32 v14, v18;
	v62 =	vmul.f32 $8.000000000e+00, v52;
	v33 =	vld.idx.msk [tilespmem:v51+s26+$0x0], $0xffff;
	[tilespmem:s8+$0x0] =	vst v58  }
0xff: {  	[tilespmem:s0+$0x30] =	vst v21;
	v63 =	vor.u32 v14, v19;
	v30 =	vld.idx.msk [tilespmem:v54+s26+$0x0], $0xffff;
	v60 =	vmul.f32 $8.000000000e+00, v31  }
0x100: {  	v38 =	vor.u32 v14, v20;
	[tilespmem:s22+$0x10] =	vst v62;
	v39 =	vld.idx.msk [tilespmem:v57+s26+$0x0], $0xffff;
	v37 =	vmul.f32 $8.000000000e+00, v34  }
0x101: {  	v41 =	vor.u32 v14, v22;
	v40 =	vmul.f32 $8.000000000e+00, v27;
	v28 =	vld.idx.msk [tilespmem:v59+s26+$0x0], $0xffff;
	[tilespmem:s9+$0x0] =	vst v60  }
0x102: {  	v43 =	vor.u32 v14, v23;
	v42 =	vmul.f32 $8.000000000e+00, v29;
	[tilespmem:s23+$0x10] =	vst v37;
	v32 =	vld.idx.msk [tilespmem:v56+s26+$0x0], $0xffff  }
0x103: {  	v16 =	vor.u32 v15, v16;
	v44 =	vmul.f32 $8.000000000e+00, v33;
	[tilespmem:s1+$0x10] =	vst v40;
	v31 =	vld.idx.msk [tilespmem:v61+s26+$0x0], $0xffff  }
0x104: {  	v17 =	vor.u32 v15, v17;
	v35 =	vld.idx.msk [tilespmem:v63+s26+$0x0], $0xffff;
	[tilespmem:s6+$0x10] =	vst v42;
	v46 =	vmul.f32 $8.000000000e+00, v30  }
0x105: {  	v45 =	vor.u32 v14, v25;
	[tilespmem:s7+$0x10] =	vst v44;
	v48 =	vmul.f32 $8.000000000e+00, v39;
	v26 =	vld.idx.msk [tilespmem:v38+s26+$0x0], $0xffff  }
0x106: {  	v49 =	vor.u32 v15, v18;
	v27 =	vld.idx.msk [tilespmem:v41+s26+$0x0], $0xffff;
	v50 =	vmul.f32 $8.000000000e+00, v28;
	[tilespmem:s8+$0x10] =	vst v46  }
0x107: {  	v51 =	vor.u32 v15, v19;
	[tilespmem:s5+$0x20] =	vst v48;
	v52 =	vld.idx.msk [tilespmem:v43+s26+$0x0], $0xffff;
	v47 =	vmul.f32 $8.000000000e+00, v32  }
0x108: {  	v54 =	vor.u32 v15, v20;
	v16 =	vld.idx.msk [tilespmem:v16+s26+$0x0], $0xffff;
	[tilespmem:s22+$0x20] =	vst v50;
	v53 =	vmul.f32 $8.000000000e+00, v31  }
0x109: {  	v57 =	vor.u32 v15, v22;
	v17 =	vld.idx.msk [tilespmem:v17+s26+$0x0], $0xffff;
	v56 =	vmul.f32 $8.000000000e+00, v35;
	[tilespmem:s9+$0x10] =	vst v47  }
0x10a: {  	v59 =	vor.u32 v15, v23;
	v58 =	vmul.f32 $8.000000000e+00, v26;
	[tilespmem:s23+$0x20] =	vst v53;
	v55 =	vld.idx.msk [tilespmem:v45+s26+$0x0], $0xffff  }
0x10b: {  	v60 =	vmul.f32 $8.000000000e+00, v27;
	[tilespmem:s1+$0x20] =	vst v56;
	v18 =	vld.idx.msk [tilespmem:v49+s26+$0x0], $0xffff  }
0x10c: {  	[tilespmem:s6+$0x20] =	vst v58;
	v19 =	vld.idx.msk [tilespmem:v51+s26+$0x0], $0xffff;
	v61 =	vmul.f32 $8.000000000e+00, v52  }
0x10d: {  	v25 =	vor.u32 v15, v25;
	[tilespmem:s7+$0x20] =	vst v60;
	v16 =	vmul.f32 $8.000000000e+00, v16;
	v20 =	vld.idx.msk [tilespmem:v54+s26+$0x0], $0xffff  }
0x10e: {  	v22 =	vld.idx.msk [tilespmem:v57+s26+$0x0], $0xffff;
	v17 =	vmul.f32 $8.000000000e+00, v17;
	[tilespmem:s8+$0x20] =	vst v61  }
0x10f: {  	[tilespmem:s5+$0x30] =	vst v16;
	v21 =	vld.idx.msk [tilespmem:v59+s26+$0x0], $0xffff;
	v62 =	vmul.f32 $8.000000000e+00, v55  }
0x110: {  	[tilespmem:s22+$0x30] =	vst v17;
	v16 =	vmul.f32 $8.000000000e+00, v18  }
0x111: {  	v17 =	vmul.f32 $8.000000000e+00, v19;
	[tilespmem:s9+$0x20] =	vst v62  }
0x112: {  	[tilespmem:s23+$0x30] =	vst v16;
	v16 =	vmul.f32 $8.000000000e+00, v20;
	v63 =	vld.idx.msk [tilespmem:v25+s26+$0x0], $0xffff  }
0x113: {  	[tilespmem:s1+$0x30] =	vst v17;
	v17 =	vmul.f32 $8.000000000e+00, v22  }
0x114: {  	[tilespmem:s6+$0x30] =	vst v16;
	v16 =	vmul.f32 $8.000000000e+00, v21  }
0x115: {  	[tilespmem:s7+$0x30] =	vst v17  }
0x116: {  	[tilespmem:s8+$0x30] =	vst v16  }
0x117: {  	s5 =	sshll.u32 s25, $0x10;
	s1 =	rddreg [dreg:$0x4];
	v17 =	vmul.f32 $8.000000000e+00, v63  }
0x118: {  	s6 =	rddreg [dreg:$0x1];
	s5 =	sor.u32 s1, s5  }
0x119: {  	s7 =	simm.s32 $0x10800;
	s0 =	sadd.s32 s6, s5;
	[tilespmem:s9+$0x30] =	vst v17  }
0x11a: {  	[hbm4b:s0+s3] =	stream.linear.scatter [tilespmem:s7], [sflag:$0x3], $0x400, $0x38;
	[tilespmem:$0x14800] =	vst v63  }
0x11b: {  	s8 =	rddreg [dreg:$0x5]  }
0x11c: {  	s9 =	simm.s32 $0x10C00;
	s10 =	rddreg [dreg:$0x6];
	s0 =	sadd.s32 s5, s8  }
0x11d: {  	[hbm4b:s0+s3] =	stream.linear.scatter [tilespmem:s9], [sflag:$0x3], $0x400, $0x38;
	[tilespmem:$0x14800] =	vst v63  }
0x11e: {  	s22 =	simm.s32 $0x11000;
	s23 =	rddreg [dreg:$0x7];
	s0 =	sadd.s32 s5, s10  }
0x11f: {  	[hbm4b:s0+s3] =	stream.linear.scatter [tilespmem:s22], [sflag:$0x3], $0x400, $0x38;
	[tilespmem:$0x14800] =	vst v63  }
0x120: {  	s24 =	simm.s32 $0x11400;
	s6 =	rddreg [dreg:$0x8];
	s0 =	sadd.s32 s5, s23  }
0x121: {  	[hbm4b:s0+s3] =	stream.linear.scatter [tilespmem:s24], [sflag:$0x3], $0x400, $0x38;
	[tilespmem:$0x14800] =	vst v63  }
0x122: {  	s7 =	simm.s32 $0x11800;
	s0 =	sadd.s32 s5, s6  }
0x123: {  	[hbm4b:s0+s3] =	stream.linear.scatter [tilespmem:s7], [sflag:$0x3], $0x400, $0x38;
	[tilespmem:$0x14800] =	vst v63  }
0x124: {  	p1 =	sne.s32 s25, $0x63;
	s8 =	sadd.s32 s5, s11;
	s9 =	simm.s32 $0x11C00  }
0x125: {  	[hbm4b:s8+s3] =	stream.linear.scatter [tilespmem:s9], [sflag:$0x3], $0x400, $0x38;
	[tilespmem:$0x14800] =	vst v63  }
.Ltmp4:
0x126: {  	_ = 	snop;
	(pc) =	sbr.rel @p1 .LBB2_8-.Ltmp4, $4  }
0x127: {  	s10 =	sadd.s32 s5, s12;
	s22 =	simm.s32 $0x12000  }
0x128: {  	[hbm4b:s10+s3] =	stream.linear.scatter [tilespmem:s22], [sflag:$0x3], $0x400, $0x38;
	[tilespmem:$0x14800] =	vst v63  }
0x129: {  	s23 =	sadd.s32 s5, s13;
	s24 =	simm.s32 $0x12400  }
0x12a: {  	[hbm4b:s23+s3] =	stream.linear.scatter [tilespmem:s24], [sflag:$0x3], $0x400, $0x38;
	[tilespmem:$0x14800] =	vst v63  }
.Ltmp5:
0x12b: {  	(pc) =	sbr.rel .LBB2_9-.Ltmp5, $4  }
0x12c: {  	_ = 	snop  }
0x12d: {  	_ =	swait.ge [sflag:s2], $0x2000  }
0x12e: {  	[sflag:s2] =	ssyncset.done $0x0  }
0x12f: {  	[sflag:s2] =	ssyncadd.s32 $0xFFFFE000  }
.LBB2_8:
0x130: {  	s0 =	sshrl.u32 s28, $0x2  }
.Ltmp6:
0x131: {  	s1 =	simm.s32 $0x80;
	s0 =	sadd.s32 $0x6500, s0;
	(pc) =	sbr.rel @p0 .LBB2_10-.Ltmp6, $4  }
0x132: {  	[tilespmem:s26], [sflag:$0x1] =	stream.indirect.gather [hbm4b:s4+s1], $0x40, s0, s1, $0xb8;
	[tilespmem:$0x14800] =	vst v63  }
0x133: {  	_ =	swait.ge [sflag:s2], $0x2000  }
0x134: {  	[sflag:s2] =	ssyncset.done $0x0  }
0x135: {  	[sflag:s2] =	ssyncadd.s32 $0xFFFFE000  }
.LBB2_9:
0x136: {  	_ =	swait.ge [sflag:s31], $0x400  }
0x137: {  	[sflag:s31] =	ssyncset.done $0x0  }
0x138: {  	[sflag:s31] =	ssyncadd.s32 $0xFFFFFC00  }
0x139: {  	_ =	swait.ge [sflag:s31], $0x400  }
0x13a: {  	[sflag:s31] =	ssyncset.done $0x0  }
0x13b: {  	[sflag:s31] =	ssyncadd.s32 $0xFFFFFC00  }
0x13c: {  	_ =	swait.ge [sflag:s31], $0x400  }
0x13d: {  	[sflag:s31] =	ssyncset.done $0x0  }
0x13e: {  	[sflag:s31] =	ssyncadd.s32 $0xFFFFFC00  }
0x13f: {  	_ =	swait.ge [sflag:s31], $0x400  }
0x140: {  	[sflag:s31] =	ssyncset.done $0x0  }
0x141: {  	[sflag:s31] =	ssyncadd.s32 $0xFFFFFC00  }
0x142: {  	_ =	swait.ge [sflag:s31], $0x400  }
0x143: {  	[sflag:s31] =	ssyncset.done $0x0  }
0x144: {  	[sflag:s31] =	ssyncadd.s32 $0xFFFFFC00  }
0x145: {  	_ =	swait.ge [sflag:s31], $0x400  }
0x146: {  	[sflag:s31] =	ssyncset.done $0x0  }
0x147: {  	[sflag:s31] =	ssyncadd.s32 $0xFFFFFC00  }
0x148: {  	_ =	swait.ge [sflag:s31], $0x400  }
0x149: {  	[sflag:s31] =	ssyncset.done $0x0  }
0x14a: {  	[sflag:s31] =	ssyncadd.s32 $0xFFFFFC00  }
0x14b: {  	_ =	swait.ge [sflag:s31], $0x400  }
0x14c: {  	[sflag:s31] =	ssyncset.done $0x0  }
0x14d: {  	[sflag:s31] =	ssyncadd.s32 $0xFFFFFC00  }
.LBB2_10:
0x14e: {  	s0 =	simm.s32 $0x0  }
0x14f: {  	v16 =	vmov s0  }
0x150: {  	v16 =	vand.u32 $0x3F, v16  }
0x151: {  	v23 =	vbroadcast v16, $0x0;
	_ =	sdelay $0x1  }
0x152: {  	v16 =	vor.u32 v3, v23;
	_ =	sdelay $0x1  }
0x153: {  	s22 =	simm.s32 $0x1  }
0x154: {  	v17 =	vmov s22  }
0x155: {  	v17 =	vand.u32 $0x3F, v17  }
0x156: {  	v21 =	vbroadcast v17, $0x0;
	v16 =	vld.idx.msk [tilespmem:v16+s29+$0x0], $0xffff;
	_ =	sdelay $0x1  }
0x157: {  	v17 =	vor.u32 v3, v21  }
0x158: {  	v18 =	vor.u32 v9, v23  }
0x159: {  	s23 =	simm.s32 $0x2  }
0x15a: {  	v19 =	vmov s23;
	v16 =	vmul.f32 $8.000000000e+00, v16  }
0x15b: {  	s6 =	simm.s32 $0x12840;
	v19 =	vand.u32 $0x3F, v19  }
0x15c: {  	v17 =	vld.idx.msk [tilespmem:v17+s29+$0x0], $0xffff;
	[tilespmem:s6+$0xFFFFFFC0] =	vst v16;
	v16 =	vbroadcast v19, $0x0  }
0x15d: {  	v18 =	vld.idx.msk [tilespmem:v18+s29+$0x0], $0xffff  }
0x15e: {  	v19 =	vor.u32 v3, v16  }
0x15f: {  	v20 =	vor.u32 v9, v21  }
0x160: {  	s24 =	simm.s32 $0x3;
	v22 =	vor.u32 v10, v23  }
0x161: {  	v24 =	vmov s24;
	v17 =	vmul.f32 $8.000000000e+00, v17  }
0x162: {  	s24 =	simm.s32 $0x128C0;
	v24 =	vand.u32 $0x3F, v24;
	v18 =	vmul.f32 $8.000000000e+00, v18  }
0x163: {  	[tilespmem:s24+$0xFFFFFFC0] =	vst v17;
	v17 =	vbroadcast v24, $0x0;
	v19 =	vld.idx.msk [tilespmem:v19+s29+$0x0], $0xffff  }
0x164: {  	v20 =	vld.idx.msk [tilespmem:v20+s29+$0x0], $0xffff;
	[tilespmem:s6+$0xFFFFFFD0] =	vst v18  }
0x165: {  	v18 =	vld.idx.msk [tilespmem:v22+s29+$0x0], $0xffff;
	v22 =	vor.u32 v3, v17  }
0x166: {  	v24 =	vor.u32 v9, v16  }
0x167: {  	s1 =	simm.s32 $0x4;
	v25 =	vor.u32 v10, v21  }
0x168: {  	v27 =	vmov s1;
	v26 =	vor.u32 v11, v23;
	v19 =	vmul.f32 $8.000000000e+00, v19  }
0x169: {  	s22 =	simm.s32 $0x12940;
	v27 =	vand.u32 $0x3F, v27;
	v20 =	vmul.f32 $8.000000000e+00, v20  }
0x16a: {  	v22 =	vld.idx.msk [tilespmem:v22+s29+$0x0], $0xffff;
	[tilespmem:s22+$0xFFFFFFC0] =	vst v19;
	v19 =	vmul.f32 $8.000000000e+00, v18;
	v18 =	vbroadcast v27, $0x0  }
0x16b: {  	[tilespmem:s24+$0xFFFFFFD0] =	vst v20;
	v24 =	vld.idx.msk [tilespmem:v24+s29+$0x0], $0xffff  }
0x16c: {  	v20 =	vld.idx.msk [tilespmem:v25+s29+$0x0], $0xffff;
	[tilespmem:s6+$0xFFFFFFE0] =	vst v19;
	v19 =	vor.u32 v3, v18  }
0x16d: {  	v25 =	vld.idx.msk [tilespmem:v26+s29+$0x0], $0xffff;
	v26 =	vor.u32 v9, v17  }
0x16e: {  	s7 =	simm.s32 $0x5;
	v27 =	vor.u32 v10, v16  }
0x16f: {  	v29 =	vmov s7;
	v28 =	vor.u32 v11, v21;
	v22 =	vmul.f32 $8.000000000e+00, v22  }
0x170: {  	s23 =	simm.s32 $0x129C0;
	v29 =	vand.u32 $0x3F, v29;
	v30 =	vor.u32 v12, v23;
	v24 =	vmul.f32 $8.000000000e+00, v24  }
0x171: {  	v20 =	vmul.f32 $8.000000000e+00, v20;
	v31 =	vld.idx.msk [tilespmem:v19+s29+$0x0], $0xffff;
	[tilespmem:s23+$0xFFFFFFC0] =	vst v22;
	v19 =	vbroadcast v29, $0x0  }
0x172: {  	v22 =	vld.idx.msk [tilespmem:v26+s29+$0x0], $0xffff;
	[tilespmem:s22+$0xFFFFFFD0] =	vst v24;
	v24 =	vmul.f32 $8.000000000e+00, v25  }
0x173: {  	[tilespmem:s24+$0xFFFFFFE0] =	vst v20;
	v25 =	vld.idx.msk [tilespmem:v27+s29+$0x0], $0xffff;
	v20 =	vor.u32 v3, v19  }
0x174: {  	v26 =	vld.idx.msk [tilespmem:v28+s29+$0x0], $0xffff;
	[tilespmem:s6+$0xFFFFFFF0] =	vst v24;
	v24 =	vor.u32 v9, v18  }
0x175: {  	s8 =	simm.s32 $0x6;
	v28 =	vor.u32 v10, v17;
	v27 =	vld.idx.msk [tilespmem:v30+s29+$0x0], $0xffff  }
0x176: {  	v30 =	vor.u32 v11, v16;
	v29 =	vmul.f32 $8.000000000e+00, v31;
	v31 =	vmov s8  }
0x177: {  	s1 =	simm.s32 $0x12A40;
	v32 =	vor.u32 v12, v21;
	v22 =	vmul.f32 $8.000000000e+00, v22;
	v31 =	vand.u32 $0x3F, v31  }
0x178: {  	v33 =	vld.idx.msk [tilespmem:v20+s29+$0x0], $0xffff;
	[tilespmem:s1+$0xFFFFFFC0] =	vst v29;
	v25 =	vmul.f32 $8.000000000e+00, v25;
	v29 =	vor.u32 v13, v23;
	v20 =	vbroadcast v31, $0x0  }
0x179: {  	v24 =	vld.idx.msk [tilespmem:v24+s29+$0x0], $0xffff;
	[tilespmem:s23+$0xFFFFFFD0] =	vst v22;
	v22 =	vmul.f32 $8.000000000e+00, v26  }
0x17a: {  	v26 =	vld.idx.msk [tilespmem:v28+s29+$0x0], $0xffff;
	[tilespmem:s22+$0xFFFFFFE0] =	vst v25;
	v25 =	vmul.f32 $8.000000000e+00, v27;
	v27 =	vor.u32 v3, v20  }
0x17b: {  	v28 =	vld.idx.msk [tilespmem:v30+s29+$0x0], $0xffff;
	[tilespmem:s24+$0xFFFFFFF0] =	vst v22;
	v30 =	vor.u32 v9, v19  }
0x17c: {  	s9 =	simm.s32 $0x7;
	v31 =	vld.idx.msk [tilespmem:v32+s29+$0x0], $0xffff;
	[tilespmem:s6+$0x0] =	vst v25;
	v25 =	vor.u32 v10, v18  }
0x17d: {  	v58 =	vmov s9;
	v57 =	vor.u32 v11, v17;
	v29 =	vld.idx.msk [tilespmem:v29+s29+$0x0], $0xffff;
	v22 =	vmul.f32 $8.000000000e+00, v33  }
0x17e: {  	s0 =	simm.s32 $0x12AC0;
	v34 =	vor.u32 v12, v16;
	v33 =	vand.u32 $0x3F, v58;
	v24 =	vmul.f32 $8.000000000e+00, v24  }
0x17f: {  	v35 =	vor.u32 v13, v21;
	v27 =	vld.idx.msk [tilespmem:v27+s29+$0x0], $0xffff;
	[tilespmem:s0+$0xFFFFFFC0] =	vst v22;
	v26 =	vmul.f32 $8.000000000e+00, v26;
	v22 =	vbroadcast v33, $0x0  }
0x180: {  	v30 =	vld.idx.msk [tilespmem:v30+s29+$0x0], $0xffff;
	[tilespmem:s1+$0xFFFFFFD0] =	vst v24;
	v24 =	vmul.f32 $8.000000000e+00, v28;
	v28 =	vor.u32 v14, v23  }
0x181: {  	v25 =	vld.idx.msk [tilespmem:v25+s29+$0x0], $0xffff;
	[tilespmem:s23+$0xFFFFFFE0] =	vst v26;
	v26 =	vmul.f32 $8.000000000e+00, v31;
	v31 =	vor.u32 v3, v22  }
0x182: {  	v32 =	vld.idx.msk [tilespmem:v57+s29+$0x0], $0xffff;
	[tilespmem:s22+$0xFFFFFFF0] =	vst v24;
	v24 =	vmul.f32 $8.000000000e+00, v29;
	v29 =	vor.u32 v9, v20  }
0x183: {  	v59 =	vld.idx.msk [tilespmem:v34+s29+$0x0], $0xffff;
	[tilespmem:s24+$0x0] =	vst v26;
	v26 =	vor.u32 v10, v19  }
0x184: {  	v38 =	vor.u32 v14, v21;
	s8 =	simm.s32 $0x8;
	v60 =	vld.idx.msk [tilespmem:v35+s29+$0x0], $0xffff;
	[tilespmem:s6+$0x10] =	vst v24;
	v24 =	vmul.f32 $8.000000000e+00, v27;
	v27 =	vor.u32 v11, v18  }
0x185: {  	s7 =	simm.s32 $0x12B40;
	v36 =	vmov s8;
	v61 =	vld.idx.msk [tilespmem:v28+s29+$0x0], $0xffff;
	v28 =	vmul.f32 $8.000000000e+00, v30;
	v30 =	vor.u32 v12, v17  }
0x186: {  	v36 =	vand.u32 $0x3F, v36;
	v31 =	vld.idx.msk [tilespmem:v31+s29+$0x0], $0xffff;
	[tilespmem:s7+$0xFFFFFFC0] =	vst v24;
	v24 =	vmul.f32 $8.000000000e+00, v25;
	v25 =	vor.u32 v13, v16  }
0x187: {  	v39 =	vor.u32 v15, v23;
	v23 =	vbroadcast v36, $0x0;
	v29 =	vld.idx.msk [tilespmem:v29+s29+$0x0], $0xffff;
	[tilespmem:s0+$0xFFFFFFD0] =	vst v28;
	v32 =	vmul.f32 $8.000000000e+00, v32  }
0x188: {  	v28 =	vld.idx.msk [tilespmem:v26+s29+$0x0], $0xffff;
	[tilespmem:s1+$0xFFFFFFE0] =	vst v24;
	v24 =	vmul.f32 $8.000000000e+00, v59  }
0x189: {  	v35 =	vor.u32 v3, v23;
	v27 =	vld.idx.msk [tilespmem:v27+s29+$0x0], $0xffff;
	[tilespmem:s23+$0xFFFFFFF0] =	vst v32;
	v62 =	vmul.f32 $8.000000000e+00, v60  }
0x18a: {  	v34 =	vor.u32 v9, v22;
	v26 =	vld.idx.msk [tilespmem:v30+s29+$0x0], $0xffff;
	[tilespmem:s22+$0x0] =	vst v24;
	v63 =	vmul.f32 $8.000000000e+00, v61  }
0x18b: {  	v33 =	vor.u32 v10, v20;
	v24 =	vld.idx.msk [tilespmem:v25+s29+$0x0], $0xffff;
	[tilespmem:s24+$0x10] =	vst v62  }
0x18c: {  	s10 =	simm.s32 $0x9;
	v32 =	vor.u32 v11, v19;
	v37 =	vmul.f32 $8.000000000e+00, v31;
	v30 =	vld.idx.msk [tilespmem:v38+s29+$0x0], $0xffff;
	[tilespmem:s6+$0x20] =	vst v63  }
0x18d: {  	s9 =	simm.s32 $0xA;
	s8 =	simm.s32 $0x12BC0;
	v25 =	vmov s10;
	v36 =	vmul.f32 $8.000000000e+00, v29;
	v29 =	vor.u32 v12, v18;
	v31 =	vld.idx.msk [tilespmem:v39+s29+$0x0], $0xffff  }
.LBB2_11:
0x18e: {  	p0 =	sne.s32 s9, $0x3F;
	v25 =	vand.u32 $0x3F, v25;
	v38 =	vld.idx.msk [tilespmem:v35+s29+$0x0], $0xffff;
	[tilespmem:s8+$0xFFFFFFC0] =	vst v37;
	v35 =	vmul.f32 $8.000000000e+00, v28;
	v37 =	vor.u32 v13, v17;
	s10 =	smov.u32 s24;
	s24 =	smov.u32 s22  }
0x18f: {  	s22 =	smov.u32 s23;
	s23 =	smov.u32 s1;
	s1 =	smov.u32 s0;
	v25 =	vbroadcast v25, $0x0;
	v39 =	vld.idx.msk [tilespmem:v34+s29+$0x0], $0xffff;
	[tilespmem:s7+$0xFFFFFFD0] =	vst v36;
	v34 =	vmul.f32 $8.000000000e+00, v27;
	v36 =	vor.u32 v14, v16  }
0x190: {  	v40 =	vor.u32 v15, v21;
	v21 =	vmovc v16;
	s0 =	smov.u32 s7;
	v16 =	vmov v17;
	s7 =	smov.u32 s8;
	v28 =	vld.idx.msk [tilespmem:v33+s29+$0x0], $0xffff;
	[tilespmem:s1+$0xFFFFFFE0] =	vst v35;
	v33 =	vmul.f32 $8.000000000e+00, v26  }
.Ltmp7:
0x191: {  	v17 =	vmovc v18;
	v18 =	vmov v19;
	v35 =	vor.u32 v3, v25;
	v27 =	vld.idx.msk [tilespmem:v32+s29+$0x0], $0xffff;
	[tilespmem:s23+$0xFFFFFFF0] =	vst v34;
	v32 =	vmul.f32 $8.000000000e+00, v24;
	(pc) =	sbr.rel @p0 .LBB2_11-.Ltmp7, $4  }
0x192: {  	v19 =	vmovc v20;
	v20 =	vmov v22;
	v34 =	vor.u32 v9, v23;
	v26 =	vld.idx.msk [tilespmem:v29+s29+$0x0], $0xffff;
	[tilespmem:s22+$0x0] =	vst v33;
	v29 =	vmul.f32 $8.000000000e+00, v30  }
0x193: {  	v22 =	vmovc v23;
	v23 =	vmov v25;
	v33 =	vor.u32 v10, v20;
	v41 =	vmul.f32 $8.000000000e+00, v31;
	v24 =	vld.idx.msk [tilespmem:v37+s29+$0x0], $0xffff;
	[tilespmem:s24+$0x10] =	vst v32  }
0x194: {  	v37 =	vmul.f32 $8.000000000e+00, v38;
	v32 =	vor.u32 v11, v19;
	v30 =	vld.idx.msk [tilespmem:v36+s29+$0x0], $0xffff;
	[tilespmem:s10+$0x20] =	vst v29  }
0x195: {  	s8 =	sadd.s32 $0x80, s8;
	v25 =	vmov s9;
	s9 =	sadd.s32 $0x1, s9;
	v36 =	vmul.f32 $8.000000000e+00, v39;
	v29 =	vor.u32 v12, v18;
	v31 =	vld.idx.msk [tilespmem:v40+s29+$0x0], $0xffff;
	[tilespmem:s6+$0x30] =	vst v41;
	s6 =	smov.u32 s10  }
0x196: {  	v25 =	vand.u32 $0x3F, v25  }
0x197: {  	v25 =	vbroadcast v25, $0x0;
	_ =	sdelay $0x1  }
0x198: {  	v38 =	vor.u32 v3, v25;
	_ =	sdelay $0x3  }
0x199: {  	v35 =	vld.idx.msk [tilespmem:v35+s29+$0x0], $0xffff  }
0x19a: {  	v38 =	vld.idx.msk [tilespmem:v38+s29+$0x0], $0xffff;
	_ =	sdelay $0x1  }
0x19b: {  	v39 =	vor.u32 v9, v23  }
0x19c: {  	v40 =	vor.u32 v9, v25  }
0x19d: {  	v35 =	vmul.f32 $8.000000000e+00, v35  }
0x19e: {  	[tilespmem:s8+$0xFFFFFFC0] =	vst v37;
	s9 =	sadd.s32 $0x80, s8;
	v43 =	vmul.f32 $8.000000000e+00, v38  }
0x19f: {  	v34 =	vld.idx.msk [tilespmem:v34+s29+$0x0], $0xffff;
	s10 =	sadd.s32 $0x80, s9;
	[tilespmem:s9+$0xFFFFFFC0] =	vst v35  }
0x1a0: {  	v35 =	vld.idx.msk [tilespmem:v39+s29+$0x0], $0xffff;
	[tilespmem:s10+$0xFFFFFFC0] =	vst v43  }
0x1a1: {  	v37 =	vld.idx.msk [tilespmem:v40+s29+$0x0], $0xffff  }
0x1a2: {  	v44 =	vor.u32 v10, v22  }
0x1a3: {  	v45 =	vor.u32 v10, v23  }
0x1a4: {  	v46 =	vor.u32 v10, v25;
	v34 =	vmul.f32 $8.000000000e+00, v34  }
0x1a5: {  	[tilespmem:s7+$0xFFFFFFD0] =	vst v36;
	v35 =	vmul.f32 $8.000000000e+00, v35  }
0x1a6: {  	v33 =	vld.idx.msk [tilespmem:v33+s29+$0x0], $0xffff;
	[tilespmem:s8+$0xFFFFFFD0] =	vst v34;
	v47 =	vmul.f32 $8.000000000e+00, v37  }
0x1a7: {  	v48 =	vld.idx.msk [tilespmem:v44+s29+$0x0], $0xffff;
	[tilespmem:s9+$0xFFFFFFD0] =	vst v35  }
0x1a8: {  	v35 =	vld.idx.msk [tilespmem:v45+s29+$0x0], $0xffff;
	[tilespmem:s10+$0xFFFFFFD0] =	vst v47  }
0x1a9: {  	v49 =	vor.u32 v11, v20;
	v50 =	vld.idx.msk [tilespmem:v46+s29+$0x0], $0xffff  }
0x1aa: {  	v28 =	vmul.f32 $8.000000000e+00, v28;
	v51 =	vor.u32 v11, v22  }
0x1ab: {  	v52 =	vor.u32 v11, v23;
	v33 =	vmul.f32 $8.000000000e+00, v33  }
0x1ac: {  	[tilespmem:s0+$0xFFFFFFE0] =	vst v28;
	v54 =	vor.u32 v11, v25;
	v53 =	vmul.f32 $8.000000000e+00, v48  }
0x1ad: {  	v32 =	vld.idx.msk [tilespmem:v32+s29+$0x0], $0xffff;
	[tilespmem:s7+$0xFFFFFFE0] =	vst v33;
	v55 =	vmul.f32 $8.000000000e+00, v35  }
0x1ae: {  	v56 =	vld.idx.msk [tilespmem:v49+s29+$0x0], $0xffff;
	[tilespmem:s8+$0xFFFFFFE0] =	vst v53;
	v57 =	vmul.f32 $8.000000000e+00, v50  }
0x1af: {  	v27 =	vmul.f32 $8.000000000e+00, v27;
	v58 =	vld.idx.msk [tilespmem:v51+s29+$0x0], $0xffff;
	[tilespmem:s9+$0xFFFFFFE0] =	vst v55  }
0x1b0: {  	v59 =	vor.u32 v12, v19;
	v26 =	vmul.f32 $8.000000000e+00, v26;
	v60 =	vld.idx.msk [tilespmem:v52+s29+$0x0], $0xffff;
	[tilespmem:s10+$0xFFFFFFE0] =	vst v57  }
0x1b1: {  	v61 =	vor.u32 v12, v20;
	[tilespmem:s1+$0xFFFFFFF0] =	vst v27;
	v30 =	vmul.f32 $8.000000000e+00, v30;
	v34 =	vld.idx.msk [tilespmem:v54+s29+$0x0], $0xffff  }
0x1b2: {  	v63 =	vor.u32 v12, v22;
	[tilespmem:s23+$0x0] =	vst v26;
	v62 =	vmul.f32 $8.000000000e+00, v32  }
0x1b3: {  	[tilespmem:s24+$0x20] =	vst v30;
	v39 =	vmul.f32 $8.000000000e+00, v56;
	v40 =	vor.u32 v12, v23  }
0x1b4: {  	v29 =	vld.idx.msk [tilespmem:v29+s29+$0x0], $0xffff;
	v42 =	vor.u32 v12, v25;
	[tilespmem:s0+$0xFFFFFFF0] =	vst v62;
	v41 =	vmul.f32 $8.000000000e+00, v58  }
0x1b5: {  	v21 =	vor.u32 v15, v21;
	v33 =	vld.idx.msk [tilespmem:v59+s29+$0x0], $0xffff;
	[tilespmem:s7+$0xFFFFFFF0] =	vst v39;
	v43 =	vmul.f32 $8.000000000e+00, v60  }
0x1b6: {  	v44 =	vor.u32 v13, v17;
	v30 =	vld.idx.msk [tilespmem:v61+s29+$0x0], $0xffff;
	[tilespmem:s8+$0xFFFFFFF0] =	vst v41;
	v45 =	vmul.f32 $8.000000000e+00, v34  }
0x1b7: {  	v31 =	vmul.f32 $8.000000000e+00, v31;
	v46 =	vor.u32 v13, v18;
	v32 =	vld.idx.msk [tilespmem:v63+s29+$0x0], $0xffff;
	[tilespmem:s9+$0xFFFFFFF0] =	vst v43  }
0x1b8: {  	v24 =	vmul.f32 $8.000000000e+00, v24;
	v47 =	vor.u32 v13, v19;
	v28 =	vld.idx.msk [tilespmem:v40+s29+$0x0], $0xffff;
	[tilespmem:s10+$0xFFFFFFF0] =	vst v45  }
0x1b9: {  	[tilespmem:s6+$0x30] =	vst v31;
	v49 =	vor.u32 v13, v20;
	v48 =	vmul.f32 $8.000000000e+00, v29;
	v31 =	vld.idx.msk [tilespmem:v42+s29+$0x0], $0xffff  }
0x1ba: {  	[tilespmem:s22+$0x10] =	vst v24;
	v21 =	vld.idx.msk [tilespmem:v21+s29+$0x0], $0xffff;
	v51 =	vor.u32 v13, v22;
	v50 =	vmul.f32 $8.000000000e+00, v33  }
0x1bb: {  	[tilespmem:s1+$0x0] =	vst v48;
	v53 =	vmul.f32 $8.000000000e+00, v30;
	v52 =	vld.idx.msk [tilespmem:v44+s29+$0x0], $0xffff;
	v54 =	vor.u32 v13, v23  }
0x1bc: {  	v56 =	vor.u32 v13, v25;
	v55 =	vmul.f32 $8.000000000e+00, v32;
	[tilespmem:s0+$0x0] =	vst v50;
	v34 =	vld.idx.msk [tilespmem:v46+s29+$0x0], $0xffff  }
0x1bd: {  	[tilespmem:s7+$0x0] =	vst v53;
	v57 =	vor.u32 v14, v16;
	v27 =	vld.idx.msk [tilespmem:v47+s29+$0x0], $0xffff;
	v58 =	vmul.f32 $8.000000000e+00, v28  }
0x1be: {  	v59 =	vor.u32 v14, v17;
	v29 =	vld.idx.msk [tilespmem:v49+s29+$0x0], $0xffff;
	[tilespmem:s8+$0x0] =	vst v55;
	v60 =	vmul.f32 $8.000000000e+00, v31  }
0x1bf: {  	v21 =	vmul.f32 $8.000000000e+00, v21;
	v61 =	vor.u32 v14, v18;
	v33 =	vld.idx.msk [tilespmem:v51+s29+$0x0], $0xffff;
	[tilespmem:s9+$0x0] =	vst v58  }
0x1c0: {  	v63 =	vor.u32 v14, v19;
	v62 =	vmul.f32 $8.000000000e+00, v52;
	v30 =	vld.idx.msk [tilespmem:v54+s29+$0x0], $0xffff;
	[tilespmem:s10+$0x0] =	vst v60  }
0x1c1: {  	[tilespmem:s24+$0x30] =	vst v21;
	v38 =	vor.u32 v14, v20;
	v37 =	vmul.f32 $8.000000000e+00, v34;
	v32 =	vld.idx.msk [tilespmem:v56+s29+$0x0], $0xffff  }
0x1c2: {  	v41 =	vor.u32 v14, v22;
	[tilespmem:s23+$0x10] =	vst v62;
	v39 =	vld.idx.msk [tilespmem:v57+s29+$0x0], $0xffff;
	v40 =	vmul.f32 $8.000000000e+00, v27  }
0x1c3: {  	v43 =	vor.u32 v14, v23;
	v28 =	vld.idx.msk [tilespmem:v59+s29+$0x0], $0xffff;
	v42 =	vmul.f32 $8.000000000e+00, v29;
	[tilespmem:s1+$0x10] =	vst v37  }
0x1c4: {  	v44 =	vmul.f32 $8.000000000e+00, v33;
	[tilespmem:s0+$0x10] =	vst v40;
	v45 =	vor.u32 v14, v25;
	v31 =	vld.idx.msk [tilespmem:v61+s29+$0x0], $0xffff  }
0x1c5: {  	v16 =	vor.u32 v15, v16;
	v35 =	vld.idx.msk [tilespmem:v63+s29+$0x0], $0xffff;
	[tilespmem:s7+$0x10] =	vst v42;
	v46 =	vmul.f32 $8.000000000e+00, v30  }
0x1c6: {  	v17 =	vor.u32 v15, v17;
	[tilespmem:s8+$0x10] =	vst v44;
	v26 =	vld.idx.msk [tilespmem:v38+s29+$0x0], $0xffff;
	v47 =	vmul.f32 $8.000000000e+00, v32  }
0x1c7: {  	v49 =	vor.u32 v15, v18;
	v48 =	vmul.f32 $8.000000000e+00, v39;
	v27 =	vld.idx.msk [tilespmem:v41+s29+$0x0], $0xffff;
	[tilespmem:s9+$0x10] =	vst v46  }
0x1c8: {  	v51 =	vor.u32 v15, v19;
	v50 =	vmul.f32 $8.000000000e+00, v28;
	v52 =	vld.idx.msk [tilespmem:v43+s29+$0x0], $0xffff;
	[tilespmem:s10+$0x10] =	vst v47  }
0x1c9: {  	v54 =	vor.u32 v15, v20;
	[tilespmem:s22+$0x20] =	vst v48;
	v53 =	vmul.f32 $8.000000000e+00, v31;
	v55 =	vld.idx.msk [tilespmem:v45+s29+$0x0], $0xffff  }
0x1ca: {  	v57 =	vor.u32 v15, v22;
	v16 =	vld.idx.msk [tilespmem:v16+s29+$0x0], $0xffff;
	[tilespmem:s23+$0x20] =	vst v50;
	v56 =	vmul.f32 $8.000000000e+00, v35  }
0x1cb: {  	v59 =	vor.u32 v15, v23;
	v17 =	vld.idx.msk [tilespmem:v17+s29+$0x0], $0xffff;
	v58 =	vmul.f32 $8.000000000e+00, v26;
	[tilespmem:s1+$0x20] =	vst v53  }
0x1cc: {  	v25 =	vor.u32 v15, v25;
	v60 =	vmul.f32 $8.000000000e+00, v27;
	[tilespmem:s0+$0x20] =	vst v56;
	v18 =	vld.idx.msk [tilespmem:v49+s29+$0x0], $0xffff  }
0x1cd: {  	[tilespmem:s7+$0x20] =	vst v58;
	v19 =	vld.idx.msk [tilespmem:v51+s29+$0x0], $0xffff;
	v61 =	vmul.f32 $8.000000000e+00, v52  }
0x1ce: {  	[tilespmem:s8+$0x20] =	vst v60;
	v20 =	vld.idx.msk [tilespmem:v54+s29+$0x0], $0xffff;
	v62 =	vmul.f32 $8.000000000e+00, v55  }
0x1cf: {  	v16 =	vmul.f32 $8.000000000e+00, v16;
	v22 =	vld.idx.msk [tilespmem:v57+s29+$0x0], $0xffff;
	[tilespmem:s9+$0x20] =	vst v61  }
0x1d0: {  	v17 =	vmul.f32 $8.000000000e+00, v17;
	v21 =	vld.idx.msk [tilespmem:v59+s29+$0x0], $0xffff;
	[tilespmem:s10+$0x20] =	vst v62  }
0x1d1: {  	[tilespmem:s22+$0x30] =	vst v16;
	v16 =	vmul.f32 $8.000000000e+00, v18;
	v63 =	vld.idx.msk [tilespmem:v25+s29+$0x0], $0xffff  }
0x1d2: {  	[tilespmem:s23+$0x30] =	vst v17;
	v17 =	vmul.f32 $8.000000000e+00, v19  }
0x1d3: {  	[tilespmem:s1+$0x30] =	vst v16;
	v16 =	vmul.f32 $8.000000000e+00, v20  }
0x1d4: {  	[tilespmem:s0+$0x30] =	vst v17;
	v17 =	vmul.f32 $8.000000000e+00, v22  }
0x1d5: {  	[tilespmem:s7+$0x30] =	vst v16;
	v16 =	vmul.f32 $8.000000000e+00, v21  }
0x1d6: {  	[tilespmem:s8+$0x30] =	vst v17;
	v17 =	vmul.f32 $8.000000000e+00, v63  }
0x1d7: {  	[tilespmem:s9+$0x30] =	vst v16  }
0x1d8: {  	s6 =	sadd.s32 s5, s14;
	s7 =	simm.s32 $0x12800;
	[tilespmem:s10+$0x30] =	vst v17  }
0x1d9: {  	[hbm4b:s6+s3] =	stream.linear.scatter [tilespmem:s7], [sflag:$0x4], $0x400, $0x38;
	[tilespmem:$0x14800] =	vst v63  }
0x1da: {  	s8 =	sadd.s32 s5, s15;
	s9 =	simm.s32 $0x12C00  }
0x1db: {  	[hbm4b:s8+s3] =	stream.linear.scatter [tilespmem:s9], [sflag:$0x4], $0x400, $0x38;
	[tilespmem:$0x14800] =	vst v63  }
0x1dc: {  	s22 =	simm.s32 $0x13000;
	s10 =	sadd.s32 s5, s16  }
0x1dd: {  	[hbm4b:s10+s3] =	stream.linear.scatter [tilespmem:s22], [sflag:$0x4], $0x400, $0x38;
	[tilespmem:$0x14800] =	vst v63  }
0x1de: {  	s24 =	simm.s32 $0x13400;
	s23 =	sadd.s32 s5, s17  }
0x1df: {  	[hbm4b:s23+s3] =	stream.linear.scatter [tilespmem:s24], [sflag:$0x4], $0x400, $0x38;
	[tilespmem:$0x14800] =	vst v63  }
0x1e0: {  	s6 =	sadd.s32 s5, s18;
	s7 =	simm.s32 $0x13800  }
0x1e1: {  	[hbm4b:s6+s3] =	stream.linear.scatter [tilespmem:s7], [sflag:$0x4], $0x400, $0x38;
	[tilespmem:$0x14800] =	vst v63  }
0x1e2: {  	p0 =	seq.s32 s25, $0x63;
	s8 =	sadd.s32 s5, s19;
	s9 =	simm.s32 $0x13C00  }
0x1e3: {  	[hbm4b:s8+s3] =	stream.linear.scatter [tilespmem:s9], [sflag:$0x4], $0x400, $0x38;
	[tilespmem:$0x14800] =	vst v63  }
.Ltmp8:
0x1e4: {  	_ = 	snop;
	(pc) =	sbr.rel @p0 .LBB2_14-.Ltmp8, $4  }
0x1e5: {  	s10 =	sadd.s32 s5, s20;
	s22 =	simm.s32 $0x14000  }
0x1e6: {  	[hbm4b:s10+s3] =	stream.linear.scatter [tilespmem:s22], [sflag:$0x4], $0x400, $0x38;
	[tilespmem:$0x14800] =	vst v63  }
0x1e7: {  	s23 =	sadd.s32 s5, s21;
	s24 =	simm.s32 $0x14400  }
0x1e8: {  	[hbm4b:s23+s3] =	stream.linear.scatter [tilespmem:s24], [sflag:$0x4], $0x400, $0x38;
	[tilespmem:$0x14800] =	vst v63  }
.Ltmp9:
0x1e9: {  	(pc) =	sbr.rel .LBB2_4-.Ltmp9, $4  }
0x1ea: {  	_ = 	snop  }
0x1eb: {  	s0 =	sshrl.u32 s28, $0x2  }
0x1ec: {  	s1 =	simm.s32 $0x80;
	s25 =	sadd.s32 $0x1, s25;
	s0 =	sadd.s32 $0x6580, s0  }
0x1ed: {  	[tilespmem:s29], [sflag:$0x2] =	stream.indirect.gather [hbm4b:s4+s1], $0x40, s0, s1, $0xb8;
	[tilespmem:$0x14800] =	vst v63  }
.LBB2_15:
0x1ee: {  	_ =	sfence.sel $0x180000  }
0x1ef: {  	[bflag:$0x0] =	sbarrier.arrive $0xFFFF  }
0x1f0: {  	_ =	strace $0x90000047  }
0x1f1: {  	s0 =	stileid.u32;
	[bflag:$0x2] =	sbarrier.arrive $0xFFFF  }
0x1f2: {  	p0 =	sne.s32 s0, $0x0;
	s0 =	rddreg [dreg:$0x2]  }
0x1f3: {  	s0 =	sadd.s32 @!p0 $0x100000, s0  }
0x1f4: {  	[sflag:s0] =	ssyncadd.tile.s32 @!p0 $0x1;
	_ =	shalt  }
.Lfunc_end2:
_tile_overlayer_lowered:
.L_overlay_start_2:
0x1f5: {  	(tag) =	ssettag $0x2  }
0x1f6: {  	s0 =	rddreg [dreg:$0x0];
	s2 =	stileid.u32  }
0x1f7: {  	s1 =	rddreg [dreg:$0x1];
	p0 =	sne.s32 s2, $0x0  }
0x1f8: {  	s3 =	rddreg [dreg:$0x2];
	[bflag:$0x3] =	sbarrier.arrive $0xFFFF;
	s2 =	simm.s32 @!p0 $0x1C05  }
0x1f9: {  	[timem:s3], [sflag:s2] =	dma.local @!p0 [hbm:s0], s1  }
0x1fa: {  	s0 =	simm.s32 @!p0 $0x5  }
0x1fb: {  	_ =	swait.ge @!p0 [sflag:s0], s1  }
0x1fc: {  	s1 =	ssub.s32 @!p0 $0x0, s1;
	[sflag:s0] =	ssyncset.done @!p0 $0x0  }
0x1fd: {  	[sflag:s0] =	ssyncadd.s32 @!p0 s1  }
0x1fe: {  	[bflag:$0x3] =	sbarrier.arrive $0xFFFF  }
0x1ff: {  	_ =	shalt  }

</sc_bundles>
